<compile_context>
chip_gen: v7x
topology: tpu7x:2x2x1
jax: 0.10.2.dev20260603
libtpu: 0.0.44.dev20260713+nightly
codegen_flags: <defaults>
</compile_context>

<pallas_src>
import functools
import jax
import jax.numpy as jnp
from jax import lax
from jax.experimental import pallas as pl
from jax.experimental.pallas import tpu as pltpu
from jax.experimental.pallas import tpu_sc as plsc

_NC = 2
_NS = 16
_NW = _NC * _NS
_B = 16384
_D = 64
_D2 = 128
_BPW = _B // _NW
_CHUNK = 128
_NCH = _BPW // _CHUNK
_IDXROWS = _B // _CHUNK
_BLK = 2048


def _sc_gather_body(uidx_hbm, iidx_hbm, utab_hbm, itab_hbm, out_hbm,
                    uidx_v, iidx_v, urows_v, irows_v, sem):
  wid = lax.axis_index("s") * _NC + lax.axis_index("c")
  base = wid * _BPW
  row0 = wid * _NCH
  pltpu.sync_copy(uidx_hbm.at[pl.ds(row0, _NCH)], uidx_v)
  pltpu.sync_copy(iidx_hbm.at[pl.ds(row0, _NCH)], iidx_v)

  for ch in range(_NCH):
    cu = pltpu.async_copy(utab_hbm.at[uidx_v.at[ch]], urows_v, sem)
    ci = pltpu.async_copy(itab_hbm.at[iidx_v.at[ch]], irows_v, sem)
    cu.wait()
    ci.wait()
    dst = pl.ds(base + ch * _CHUNK, _CHUNK)
    pltpu.sync_copy(urows_v, out_hbm.at[0, dst])
    pltpu.sync_copy(irows_v, out_hbm.at[1, dst])


def _sc_gather(uidx2, iidx2, utab, itab):
  mesh = plsc.VectorSubcoreMesh(core_axis_name="c", subcore_axis_name="s")
  k = functools.partial(
      pl.kernel, mesh=mesh,
      compiler_params=pltpu.CompilerParams(use_tc_tiling_on_sc=True),
      out_type=jax.ShapeDtypeStruct((2, _B, _D2), jnp.float32),
      scratch_types=[
          pltpu.VMEM((_NCH, _CHUNK), jnp.int32),
          pltpu.VMEM((_NCH, _CHUNK), jnp.int32),
          pltpu.VMEM((_CHUNK, _D2), jnp.float32),
          pltpu.VMEM((_CHUNK, _D2), jnp.float32),
          pltpu.SemaphoreType.DMA,
      ],
  )(_sc_gather_body)
  return k(uidx2, iidx2, utab, itab)


def _mlp_body(x_ref, up_ref, ip_ref, w1u_ref, w1v_ref, b1_ref, w2_ref, b2_ref,
              w3_ref, b3_ref, w4_ref, b4_ref, out_ref):
  u2 = x_ref[0]
  v2 = x_ref[1]
  u = jnp.where(up_ref[...] > 0, u2[:, _D:], u2[:, :_D])
  v = jnp.where(ip_ref[...] > 0, v2[:, _D:], v2[:, :_D])
  h = jnp.dot(u, w1u_ref[...], preferred_element_type=jnp.float32)
  h = h + jnp.dot(v, w1v_ref[...], preferred_element_type=jnp.float32)
  h = jnp.maximum(h + b1_ref[...], 0.0)
  h = jnp.dot(h, w2_ref[...], preferred_element_type=jnp.float32)
  h = jnp.maximum(h + b2_ref[...], 0.0)
  h = jnp.dot(h, w3_ref[...], preferred_element_type=jnp.float32)
  h = jnp.maximum(h + b3_ref[...], 0.0)
  out_ref[...] = (jnp.dot(h, w4_ref[...], preferred_element_type=jnp.float32)
                  + b4_ref[...])


def _tc_mlp(x, upar, ipar, w1u, w1v, b1, w2, b2, w3, b3, w4, b4):
  full = lambda shape: pl.BlockSpec(shape, lambda i: tuple(0 for _ in shape))
  return pl.pallas_call(
      _mlp_body,
      grid=(_B // _BLK,),
      in_specs=[
          pl.BlockSpec((2, _BLK, _D2), lambda i: (0, i, 0)),
          pl.BlockSpec((_BLK, 1), lambda i: (i, 0)),
          pl.BlockSpec((_BLK, 1), lambda i: (i, 0)),
          full((_D, 32)), full((_D, 32)), full((1, 32)),
          full((32, 16)), full((1, 16)),
          full((16, 8)), full((1, 8)),
          full((8, 1)), full((1, 1)),
      ],
      out_specs=pl.BlockSpec((_BLK, 1), lambda i: (i, 0)),
      out_shape=jax.ShapeDtypeStruct((_B, 1), jnp.float32),
  )(x, upar, ipar, w1u, w1v, b1, w2, b2, w3, b3, w4, b4)


@jax.jit
def kernel(user, items, user_table, item_table, W1, b1, W2, b2, W3, b3, W4, b4):
  u32 = user.astype(jnp.int32)
  i32 = items.astype(jnp.int32)
  uh = (u32 >> 1).reshape(_IDXROWS, _CHUNK)
  ih = (i32 >> 1).reshape(_IDXROWS, _CHUNK)
  upar = (u32 & 1).astype(jnp.float32).reshape(_B, 1)
  ipar = (i32 & 1).astype(jnp.float32).reshape(_B, 1)
  ut2 = user_table.reshape(-1, _D2)
  it2 = item_table.reshape(-1, _D2)
  x = _sc_gather(uh, ih, ut2, it2)
  return _tc_mlp(x, upar, ipar,
                 W1[:, :_D].T, W1[:, _D:].T, b1.reshape(1, 32),
                 W2.T, b2.reshape(1, 16), W3.T, b3.reshape(1, 8),
                 W4.T, b4.reshape(1, 1))

# --- scband reference (transcript-rebuilt; emitter-appended) ---
"""Pipeline reference for scband-ncf-mlp-14585708937623 (READ-ONLY COPY).

The authoritative reference and input builder live on the scoring server;
editing this copy changes nothing except your own understanding.
"""

import jax, jax.numpy as jnp
import numpy as np

NUM_USERS = 1000000
NUM_ITEMS = 1000000
LATENT = 64
BATCH = 16384


def setup_inputs(seed: int = 0) -> dict:
    key = jax.random.key(seed)
    ks = jax.random.split(key, 12)
    user = jax.random.randint(ks[0], (BATCH,), 0, NUM_USERS, dtype=jnp.int64 if jax.config.jax_enable_x64 else jnp.int32)
    items = jax.random.randint(ks[1], (BATCH,), 0, NUM_ITEMS, dtype=jnp.int64 if jax.config.jax_enable_x64 else jnp.int32)
    user_table = jax.random.normal(ks[2], (NUM_USERS, LATENT), dtype=jnp.float32) * 0.02
    item_table = jax.random.normal(ks[3], (NUM_ITEMS, LATENT), dtype=jnp.float32) * 0.02
    # torch Linear convention: W has shape [out_features, in_features]
    W1 = jax.random.normal(ks[4], (32, 2 * LATENT), dtype=jnp.float32) * (1.0 / np.sqrt(2 * LATENT))
    b1 = jnp.zeros((32,), dtype=jnp.float32)
    W2 = jax.random.normal(ks[5], (16, 32), dtype=jnp.float32) * (1.0 / np.sqrt(32))
    b2 = jnp.zeros((16,), dtype=jnp.float32)
    W3 = jax.random.normal(ks[6], (8, 16), dtype=jnp.float32) * (1.0 / np.sqrt(16))
    b3 = jnp.zeros((8,), dtype=jnp.float32)
    W4 = jax.random.normal(ks[7], (1, 8), dtype=jnp.float32) * (1.0 / np.sqrt(8))
    b4 = jnp.zeros((1,), dtype=jnp.float32)
    return {
        "user": user, "items": items,
        "user_table": user_table, "item_table": item_table,
        "W1": W1, "b1": b1, "W2": W2, "b2": b2,
        "W3": W3, "b3": b3, "W4": W4, "b4": b4,
    }


def reference(user, items, user_table, item_table, W1, b1, W2, b2, W3, b3, W4, b4):
    user_embed = jnp.take(user_table, user, axis=0)   # [B, D]
    item_embed = jnp.take(item_table, items, axis=0)  # [B, D]
    user_item = jnp.concatenate([user_embed, item_embed], axis=1)  # [B, 2D]
    h = jax.nn.relu(user_item @ W1.T + b1)
    h = jax.nn.relu(h @ W2.T + b2)
    h = jax.nn.relu(h @ W3.T + b3)
    logits = h @ W4.T + b4  # [B, 1]
    return logits

if __name__ == "__main__":
    import jax
    _d = setup_inputs()
    print(jax.jit(kernel)(*tuple(_d.values())))

</pallas_src>

<mosaic_0001>
#map = affine_map<(d0, d1) -> (0, 0)>
#map1 = affine_map<(d0, d1) -> (0, 0, 0)>
module attributes {stable_mosaic.version = 14 : i64} {
  func.func @_sc_gather_body(%arg0: i32, %arg1: i32, %arg2: memref<128x128xi32, #tpu.memory_space<hbm>>, %arg3: memref<128x128xi32, #tpu.memory_space<hbm>>, %arg4: memref<500000x128xf32, #tpu.memory_space<hbm>>, %arg5: memref<500000x128xf32, #tpu.memory_space<hbm>>, %arg6: memref<2x16384x128xf32, #tpu.memory_space<hbm>>, %arg7: memref<4x128xi32, #tpu.memory_space<vmem>>, %arg8: memref<4x128xi32, #tpu.memory_space<vmem>>, %arg9: memref<128x128xf32, #tpu.memory_space<vmem>>, %arg10: memref<128x128xf32, #tpu.memory_space<vmem>>, %arg11: memref<!tpu.dma_semaphore, #tpu.memory_space<semaphore_mem>>) attributes {dimension_semantics = [#tpu.dimension_semantics<core_parallel>, #tpu.dimension_semantics<subcore_parallel>], iteration_bounds = array<i64: 2, 16>, scalar_prefetch = 0 : i64, scratch_operands = 5 : i64, tpu.core_type = #tpu.core_type<sc_vector_subcore>, window_params = [{transform_indices = #map}, {transform_indices = #map}, {transform_indices = #map}, {transform_indices = #map}, {transform_indices = #map1}]} {
    %mul3A = arith.constant 2 : i32
    %mul3A_0 = arith.muli %arg1, %mul3A : i32
    %add3A = arith.addi %mul3A_0, %arg0 : i32
    %mul3A_1 = arith.constant 512 : i32
    %mul3A_2 = arith.muli %add3A, %mul3A_1 : i32
    %mul3A_3 = arith.constant 4 : i32
    %mul3A_4 = arith.muli %add3A, %mul3A_3 : i32
    "tpu.region"() ({
      %run_scoped3A_130 = tpu.sem_alloc : memref<!tpu.dma_semaphore, #tpu.memory_space<semaphore_mem>>
      %dma_start3A_131 = arith.constant 0 : i32
      %dma_start3A_132 = tpu.memref_slice %arg2[%mul3A_4, %dma_start3A_131] : memref<128x128xi32, #tpu.memory_space<hbm>> -> memref<4x128xi32, #tpu.memory_space<hbm>>
      %dma_start3A_133 = arith.constant 0 : i32
      %dma_start3A_134 = tpu.memref_slice %arg2[%mul3A_4, %dma_start3A_133] : memref<128x128xi32, #tpu.memory_space<hbm>> -> memref<4x128xi32, #tpu.memory_space<hbm>>
      tpu.enqueue_dma source(%dma_start3A_134 : memref<4x128xi32, #tpu.memory_space<hbm>>) target(%arg7 : memref<4x128xi32, #tpu.memory_space<vmem>>) target_semaphore(%run_scoped3A_130 : memref<!tpu.dma_semaphore, #tpu.memory_space<semaphore_mem>>)
      %dma_wait3A_135 = arith.constant 0 : i32
      %dma_wait3A_136 = tpu.memref_slice %arg2[%mul3A_4, %dma_wait3A_135] : memref<128x128xi32, #tpu.memory_space<hbm>> -> memref<4x128xi32, #tpu.memory_space<hbm>>
      %dma_wait3A_137 = arith.constant 0 : i32
      %dma_wait3A_138 = tpu.memref_slice %arg2[%mul3A_4, %dma_wait3A_137] : memref<128x128xi32, #tpu.memory_space<hbm>> -> memref<4x128xi32, #tpu.memory_space<hbm>>
      tpu.wait_dma2 semaphore(%run_scoped3A_130 : memref<!tpu.dma_semaphore, #tpu.memory_space<semaphore_mem>>) src(%dma_wait3A_138 : memref<4x128xi32, #tpu.memory_space<hbm>>) dst(%arg7 : memref<4x128xi32, #tpu.memory_space<vmem>>)
      tpu.yield
    }) : () -> ()
    "tpu.region"() ({
      %run_scoped3A_130 = tpu.sem_alloc : memref<!tpu.dma_semaphore, #tpu.memory_space<semaphore_mem>>
      %dma_start3A_131 = arith.constant 0 : i32
      %dma_start3A_132 = tpu.memref_slice %arg3[%mul3A_4, %dma_start3A_131] : memref<128x128xi32, #tpu.memory_space<hbm>> -> memref<4x128xi32, #tpu.memory_space<hbm>>
      %dma_start3A_133 = arith.constant 0 : i32
      %dma_start3A_134 = tpu.memref_slice %arg3[%mul3A_4, %dma_start3A_133] : memref<128x128xi32, #tpu.memory_space<hbm>> -> memref<4x128xi32, #tpu.memory_space<hbm>>
      tpu.enqueue_dma source(%dma_start3A_134 : memref<4x128xi32, #tpu.memory_space<hbm>>) target(%arg8 : memref<4x128xi32, #tpu.memory_space<vmem>>) target_semaphore(%run_scoped3A_130 : memref<!tpu.dma_semaphore, #tpu.memory_space<semaphore_mem>>)
      %dma_wait3A_135 = arith.constant 0 : i32
      %dma_wait3A_136 = tpu.memref_slice %arg3[%mul3A_4, %dma_wait3A_135] : memref<128x128xi32, #tpu.memory_space<hbm>> -> memref<4x128xi32, #tpu.memory_space<hbm>>
      %dma_wait3A_137 = arith.constant 0 : i32
      %dma_wait3A_138 = tpu.memref_slice %arg3[%mul3A_4, %dma_wait3A_137] : memref<128x128xi32, #tpu.memory_space<hbm>> -> memref<4x128xi32, #tpu.memory_space<hbm>>
      tpu.wait_dma2 semaphore(%run_scoped3A_130 : memref<!tpu.dma_semaphore, #tpu.memory_space<semaphore_mem>>) src(%dma_wait3A_138 : memref<4x128xi32, #tpu.memory_space<hbm>>) dst(%arg8 : memref<4x128xi32, #tpu.memory_space<vmem>>)
      tpu.yield
    }) : () -> ()
    %dma_start3A = arith.constant 0 : i32
    %dma_start3A_5 = arith.constant 0 : i32
    %dma_start3A_6 = tpu.memref_slice %arg7[%dma_start3A, %dma_start3A_5] : memref<4x128xi32, #tpu.memory_space<vmem>> -> memref<1x128xi32, #tpu.memory_space<vmem>>
    %dma_start3A_7 = tpu.memref_squeeze %dma_start3A_6 : memref<1x128xi32, #tpu.memory_space<vmem>> -> memref<128xi32, #tpu.memory_space<vmem>>
    %dma_start3A_8 = arith.constant 0 : i32
    %dma_start3A_9 = arith.constant 0 : i32
    %dma_start3A_10 = tpu.memref_slice %arg4[%dma_start3A_8, %dma_start3A_9] : memref<500000x128xf32, #tpu.memory_space<hbm>> -> memref<500000x128xf32, #tpu.memory_space<hbm>>
    tpu.enqueue_indirect_dma source(%dma_start3A_10 : memref<500000x128xf32, #tpu.memory_space<hbm>>) target(%arg9 : memref<128x128xf32, #tpu.memory_space<vmem>>) offsets(%dma_start3A_7 : memref<128xi32, #tpu.memory_space<vmem>>) semaphore(%arg11 : memref<!tpu.dma_semaphore, #tpu.memory_space<semaphore_mem>>)
    %dma_start3A_11 = arith.constant 0 : i32
    %dma_start3A_12 = arith.constant 0 : i32
    %dma_start3A_13 = tpu.memref_slice %arg8[%dma_start3A_11, %dma_start3A_12] : memref<4x128xi32, #tpu.memory_space<vmem>> -> memref<1x128xi32, #tpu.memory_space<vmem>>
    %dma_start3A_14 = tpu.memref_squeeze %dma_start3A_13 : memref<1x128xi32, #tpu.memory_space<vmem>> -> memref<128xi32, #tpu.memory_space<vmem>>
    %dma_start3A_15 = arith.constant 0 : i32
    %dma_start3A_16 = arith.constant 0 : i32
    %dma_start3A_17 = tpu.memref_slice %arg5[%dma_start3A_15, %dma_start3A_16] : memref<500000x128xf32, #tpu.memory_space<hbm>> -> memref<500000x128xf32, #tpu.memory_space<hbm>>
    tpu.enqueue_indirect_dma source(%dma_start3A_17 : memref<500000x128xf32, #tpu.memory_space<hbm>>) target(%arg10 : memref<128x128xf32, #tpu.memory_space<vmem>>) offsets(%dma_start3A_14 : memref<128xi32, #tpu.memory_space<vmem>>) semaphore(%arg11 : memref<!tpu.dma_semaphore, #tpu.memory_space<semaphore_mem>>)
    %dma_wait3A = arith.constant 0 : i32
    %dma_wait3A_18 = arith.constant 0 : i32
    %dma_wait3A_19 = tpu.memref_slice %arg7[%dma_wait3A, %dma_wait3A_18] : memref<4x128xi32, #tpu.memory_space<vmem>> -> memref<1x128xi32, #tpu.memory_space<vmem>>
    %dma_wait3A_20 = tpu.memref_squeeze %dma_wait3A_19 : memref<1x128xi32, #tpu.memory_space<vmem>> -> memref<128xi32, #tpu.memory_space<vmem>>
    %dma_wait3A_21 = arith.constant 0 : i32
    %dma_wait3A_22 = arith.constant 0 : i32
    %dma_wait3A_23 = tpu.memref_slice %arg4[%dma_wait3A_21, %dma_wait3A_22] : memref<500000x128xf32, #tpu.memory_space<hbm>> -> memref<500000x128xf32, #tpu.memory_space<hbm>>
    tpu.wait_indirect_dma semaphore(%arg11 : memref<!tpu.dma_semaphore, #tpu.memory_space<semaphore_mem>>) src(%dma_wait3A_23 : memref<500000x128xf32, #tpu.memory_space<hbm>>) dst(%arg9 : memref<128x128xf32, #tpu.memory_space<vmem>>)
    %dma_wait3A_24 = arith.constant 0 : i32
    %dma_wait3A_25 = arith.constant 0 : i32
    %dma_wait3A_26 = tpu.memref_slice %arg8[%dma_wait3A_24, %dma_wait3A_25] : memref<4x128xi32, #tpu.memory_space<vmem>> -> memref<1x128xi32, #tpu.memory_space<vmem>>
    %dma_wait3A_27 = tpu.memref_squeeze %dma_wait3A_26 : memref<1x128xi32, #tpu.memory_space<vmem>> -> memref<128xi32, #tpu.memory_space<vmem>>
    %dma_wait3A_28 = arith.constant 0 : i32
    %dma_wait3A_29 = arith.constant 0 : i32
    %dma_wait3A_30 = tpu.memref_slice %arg5[%dma_wait3A_28, %dma_wait3A_29] : memref<500000x128xf32, #tpu.memory_space<hbm>> -> memref<500000x128xf32, #tpu.memory_space<hbm>>
    tpu.wait_indirect_dma semaphore(%arg11 : memref<!tpu.dma_semaphore, #tpu.memory_space<semaphore_mem>>) src(%dma_wait3A_30 : memref<500000x128xf32, #tpu.memory_space<hbm>>) dst(%arg10 : memref<128x128xf32, #tpu.memory_space<vmem>>)
    %add3A_31 = arith.constant 0 : i32
    %add3A_32 = arith.addi %mul3A_2, %add3A_31 : i32
    %run_scoped3A = arith.constant 0 : i32
    "tpu.region"() ({
      %run_scoped3A_130 = tpu.sem_alloc : memref<!tpu.dma_semaphore, #tpu.memory_space<semaphore_mem>>
      %dma_start3A_131 = arith.constant 0 : i32
      %dma_start3A_132 = tpu.memref_slice %arg6[%run_scoped3A, %add3A_32, %dma_start3A_131] : memref<2x16384x128xf32, #tpu.memory_space<hbm>> -> memref<1x128x128xf32, #tpu.memory_space<hbm>>
      %dma_start3A_133 = tpu.memref_squeeze %dma_start3A_132 : memref<1x128x128xf32, #tpu.memory_space<hbm>> -> memref<128x128xf32, #tpu.memory_space<hbm>>
      %dma_start3A_134 = arith.constant 0 : i32
      %dma_start3A_135 = tpu.memref_slice %arg6[%run_scoped3A, %add3A_32, %dma_start3A_134] : memref<2x16384x128xf32, #tpu.memory_space<hbm>> -> memref<1x128x128xf32, #tpu.memory_space<hbm>>
      %dma_start3A_136 = tpu.memref_squeeze %dma_start3A_135 : memref<1x128x128xf32, #tpu.memory_space<hbm>> -> memref<128x128xf32, #tpu.memory_space<hbm>>
      tpu.enqueue_dma source(%arg9 : memref<128x128xf32, #tpu.memory_space<vmem>>) target(%dma_start3A_136 : memref<128x128xf32, #tpu.memory_space<hbm>>) target_semaphore(%run_scoped3A_130 : memref<!tpu.dma_semaphore, #tpu.memory_space<semaphore_mem>>)
      %dma_wait3A_137 = arith.constant 0 : i32
      %dma_wait3A_138 = tpu.memref_slice %arg6[%run_scoped3A, %add3A_32, %dma_wait3A_137] : memref<2x16384x128xf32, #tpu.memory_space<hbm>> -> memref<1x128x128xf32, #tpu.memory_space<hbm>>
      %dma_wait3A_139 = tpu.memref_squeeze %dma_wait3A_138 : memref<1x128x128xf32, #tpu.memory_space<hbm>> -> memref<128x128xf32, #tpu.memory_space<hbm>>
      %dma_wait3A_140 = arith.constant 0 : i32
      %dma_wait3A_141 = tpu.memref_slice %arg6[%run_scoped3A, %add3A_32, %dma_wait3A_140] : memref<2x16384x128xf32, #tpu.memory_space<hbm>> -> memref<1x128x128xf32, #tpu.memory_space<hbm>>
      %dma_wait3A_142 = tpu.memref_squeeze %dma_wait3A_141 : memref<1x128x128xf32, #tpu.memory_space<hbm>> -> memref<128x128xf32, #tpu.memory_space<hbm>>
      tpu.wait_dma2 semaphore(%run_scoped3A_130 : memref<!tpu.dma_semaphore, #tpu.memory_space<semaphore_mem>>) src(%arg9 : memref<128x128xf32, #tpu.memory_space<vmem>>) dst(%dma_wait3A_142 : memref<128x128xf32, #tpu.memory_space<hbm>>)
      tpu.yield
    }) : () -> ()
    %run_scoped3A_33 = arith.constant 1 : i32
    "tpu.region"() ({
      %run_scoped3A_130 = tpu.sem_alloc : memref<!tpu.dma_semaphore, #tpu.memory_space<semaphore_mem>>
      %dma_start3A_131 = arith.constant 0 : i32
      %dma_start3A_132 = tpu.memref_slice %arg6[%run_scoped3A_33, %add3A_32, %dma_start3A_131] : memref<2x16384x128xf32, #tpu.memory_space<hbm>> -> memref<1x128x128xf32, #tpu.memory_space<hbm>>
      %dma_start3A_133 = tpu.memref_squeeze %dma_start3A_132 : memref<1x128x128xf32, #tpu.memory_space<hbm>> -> memref<128x128xf32, #tpu.memory_space<hbm>>
      %dma_start3A_134 = arith.constant 0 : i32
      %dma_start3A_135 = tpu.memref_slice %arg6[%run_scoped3A_33, %add3A_32, %dma_start3A_134] : memref<2x16384x128xf32, #tpu.memory_space<hbm>> -> memref<1x128x128xf32, #tpu.memory_space<hbm>>
      %dma_start3A_136 = tpu.memref_squeeze %dma_start3A_135 : memref<1x128x128xf32, #tpu.memory_space<hbm>> -> memref<128x128xf32, #tpu.memory_space<hbm>>
      tpu.enqueue_dma source(%arg10 : memref<128x128xf32, #tpu.memory_space<vmem>>) target(%dma_start3A_136 : memref<128x128xf32, #tpu.memory_space<hbm>>) target_semaphore(%run_scoped3A_130 : memref<!tpu.dma_semaphore, #tpu.memory_space<semaphore_mem>>)
      %dma_wait3A_137 = arith.constant 0 : i32
      %dma_wait3A_138 = tpu.memref_slice %arg6[%run_scoped3A_33, %add3A_32, %dma_wait3A_137] : memref<2x16384x128xf32, #tpu.memory_space<hbm>> -> memref<1x128x128xf32, #tpu.memory_space<hbm>>
      %dma_wait3A_139 = tpu.memref_squeeze %dma_wait3A_138 : memref<1x128x128xf32, #tpu.memory_space<hbm>> -> memref<128x128xf32, #tpu.memory_space<hbm>>
      %dma_wait3A_140 = arith.constant 0 : i32
      %dma_wait3A_141 = tpu.memref_slice %arg6[%run_scoped3A_33, %add3A_32, %dma_wait3A_140] : memref<2x16384x128xf32, #tpu.memory_space<hbm>> -> memref<1x128x128xf32, #tpu.memory_space<hbm>>
      %dma_wait3A_142 = tpu.memref_squeeze %dma_wait3A_141 : memref<1x128x128xf32, #tpu.memory_space<hbm>> -> memref<128x128xf32, #tpu.memory_space<hbm>>
      tpu.wait_dma2 semaphore(%run_scoped3A_130 : memref<!tpu.dma_semaphore, #tpu.memory_space<semaphore_mem>>) src(%arg10 : memref<128x128xf32, #tpu.memory_space<vmem>>) dst(%dma_wait3A_142 : memref<128x128xf32, #tpu.memory_space<hbm>>)
      tpu.yield
    }) : () -> ()
    %dma_start3A_34 = arith.constant 1 : i32
    %dma_start3A_35 = arith.constant 0 : i32
    %dma_start3A_36 = tpu.memref_slice %arg7[%dma_start3A_34, %dma_start3A_35] : memref<4x128xi32, #tpu.memory_space<vmem>> -> memref<1x128xi32, #tpu.memory_space<vmem>>
    %dma_start3A_37 = tpu.memref_squeeze %dma_start3A_36 : memref<1x128xi32, #tpu.memory_space<vmem>> -> memref<128xi32, #tpu.memory_space<vmem>>
    %dma_start3A_38 = arith.constant 0 : i32
    %dma_start3A_39 = arith.constant 0 : i32
    %dma_start3A_40 = tpu.memref_slice %arg4[%dma_start3A_38, %dma_start3A_39] : memref<500000x128xf32, #tpu.memory_space<hbm>> -> memref<500000x128xf32, #tpu.memory_space<hbm>>
    tpu.enqueue_indirect_dma source(%dma_start3A_40 : memref<500000x128xf32, #tpu.memory_space<hbm>>) target(%arg9 : memref<128x128xf32, #tpu.memory_space<vmem>>) offsets(%dma_start3A_37 : memref<128xi32, #tpu.memory_space<vmem>>) semaphore(%arg11 : memref<!tpu.dma_semaphore, #tpu.memory_space<semaphore_mem>>)
    %dma_start3A_41 = arith.constant 1 : i32
    %dma_start3A_42 = arith.constant 0 : i32
    %dma_start3A_43 = tpu.memref_slice %arg8[%dma_start3A_41, %dma_start3A_42] : memref<4x128xi32, #tpu.memory_space<vmem>> -> memref<1x128xi32, #tpu.memory_space<vmem>>
    %dma_start3A_44 = tpu.memref_squeeze %dma_start3A_43 : memref<1x128xi32, #tpu.memory_space<vmem>> -> memref<128xi32, #tpu.memory_space<vmem>>
    %dma_start3A_45 = arith.constant 0 : i32
    %dma_start3A_46 = arith.constant 0 : i32
    %dma_start3A_47 = tpu.memref_slice %arg5[%dma_start3A_45, %dma_start3A_46] : memref<500000x128xf32, #tpu.memory_space<hbm>> -> memref<500000x128xf32, #tpu.memory_space<hbm>>
    tpu.enqueue_indirect_dma source(%dma_start3A_47 : memref<500000x128xf32, #tpu.memory_space<hbm>>) target(%arg10 : memref<128x128xf32, #tpu.memory_space<vmem>>) offsets(%dma_start3A_44 : memref<128xi32, #tpu.memory_space<vmem>>) semaphore(%arg11 : memref<!tpu.dma_semaphore, #tpu.memory_space<semaphore_mem>>)
    %dma_wait3A_48 = arith.constant 1 : i32
    %dma_wait3A_49 = arith.constant 0 : i32
    %dma_wait3A_50 = tpu.memref_slice %arg7[%dma_wait3A_48, %dma_wait3A_49] : memref<4x128xi32, #tpu.memory_space<vmem>> -> memref<1x128xi32, #tpu.memory_space<vmem>>
    %dma_wait3A_51 = tpu.memref_squeeze %dma_wait3A_50 : memref<1x128xi32, #tpu.memory_space<vmem>> -> memref<128xi32, #tpu.memory_space<vmem>>
    %dma_wait3A_52 = arith.constant 0 : i32
    %dma_wait3A_53 = arith.constant 0 : i32
    %dma_wait3A_54 = tpu.memref_slice %arg4[%dma_wait3A_52, %dma_wait3A_53] : memref<500000x128xf32, #tpu.memory_space<hbm>> -> memref<500000x128xf32, #tpu.memory_space<hbm>>
    tpu.wait_indirect_dma semaphore(%arg11 : memref<!tpu.dma_semaphore, #tpu.memory_space<semaphore_mem>>) src(%dma_wait3A_54 : memref<500000x128xf32, #tpu.memory_space<hbm>>) dst(%arg9 : memref<128x128xf32, #tpu.memory_space<vmem>>)
    %dma_wait3A_55 = arith.constant 1 : i32
    %dma_wait3A_56 = arith.constant 0 : i32
    %dma_wait3A_57 = tpu.memref_slice %arg8[%dma_wait3A_55, %dma_wait3A_56] : memref<4x128xi32, #tpu.memory_space<vmem>> -> memref<1x128xi32, #tpu.memory_space<vmem>>
    %dma_wait3A_58 = tpu.memref_squeeze %dma_wait3A_57 : memref<1x128xi32, #tpu.memory_space<vmem>> -> memref<128xi32, #tpu.memory_space<vmem>>
    %dma_wait3A_59 = arith.constant 0 : i32
    %dma_wait3A_60 = arith.constant 0 : i32
    %dma_wait3A_61 = tpu.memref_slice %arg5[%dma_wait3A_59, %dma_wait3A_60] : memref<500000x128xf32, #tpu.memory_space<hbm>> -> memref<500000x128xf32, #tpu.memory_space<hbm>>
    tpu.wait_indirect_dma semaphore(%arg11 : memref<!tpu.dma_semaphore, #tpu.memory_space<semaphore_mem>>) src(%dma_wait3A_61 : memref<500000x128xf32, #tpu.memory_space<hbm>>) dst(%arg10 : memref<128x128xf32, #tpu.memory_space<vmem>>)
    %add3A_62 = arith.constant 128 : i32
    %add3A_63 = arith.addi %mul3A_2, %add3A_62 : i32
    %run_scoped3A_64 = arith.constant 0 : i32
    "tpu.region"() ({
      %run_scoped3A_130 = tpu.sem_alloc : memref<!tpu.dma_semaphore, #tpu.memory_space<semaphore_mem>>
      %dma_start3A_131 = arith.constant 0 : i32
      %dma_start3A_132 = tpu.memref_slice %arg6[%run_scoped3A_64, %add3A_63, %dma_start3A_131] : memref<2x16384x128xf32, #tpu.memory_space<hbm>> -> memref<1x128x128xf32, #tpu.memory_space<hbm>>
      %dma_start3A_133 = tpu.memref_squeeze %dma_start3A_132 : memref<1x128x128xf32, #tpu.memory_space<hbm>> -> memref<128x128xf32, #tpu.memory_space<hbm>>
      %dma_start3A_134 = arith.constant 0 : i32
      %dma_start3A_135 = tpu.memref_slice %arg6[%run_scoped3A_64, %add3A_63, %dma_start3A_134] : memref<2x16384x128xf32, #tpu.memory_space<hbm>> -> memref<1x128x128xf32, #tpu.memory_space<hbm>>
      %dma_start3A_136 = tpu.memref_squeeze %dma_start3A_135 : memref<1x128x128xf32, #tpu.memory_space<hbm>> -> memref<128x128xf32, #tpu.memory_space<hbm>>
      tpu.enqueue_dma source(%arg9 : memref<128x128xf32, #tpu.memory_space<vmem>>) target(%dma_start3A_136 : memref<128x128xf32, #tpu.memory_space<hbm>>) target_semaphore(%run_scoped3A_130 : memref<!tpu.dma_semaphore, #tpu.memory_space<semaphore_mem>>)
      %dma_wait3A_137 = arith.constant 0 : i32
      %dma_wait3A_138 = tpu.memref_slice %arg6[%run_scoped3A_64, %add3A_63, %dma_wait3A_137] : memref<2x16384x128xf32, #tpu.memory_space<hbm>> -> memref<1x128x128xf32, #tpu.memory_space<hbm>>
      %dma_wait3A_139 = tpu.memref_squeeze %dma_wait3A_138 : memref<1x128x128xf32, #tpu.memory_space<hbm>> -> memref<128x128xf32, #tpu.memory_space<hbm>>
      %dma_wait3A_140 = arith.constant 0 : i32
      %dma_wait3A_141 = tpu.memref_slice %arg6[%run_scoped3A_64, %add3A_63, %dma_wait3A_140] : memref<2x16384x128xf32, #tpu.memory_space<hbm>> -> memref<1x128x128xf32, #tpu.memory_space<hbm>>
      %dma_wait3A_142 = tpu.memref_squeeze %dma_wait3A_141 : memref<1x128x128xf32, #tpu.memory_space<hbm>> -> memref<128x128xf32, #tpu.memory_space<hbm>>
      tpu.wait_dma2 semaphore(%run_scoped3A_130 : memref<!tpu.dma_semaphore, #tpu.memory_space<semaphore_mem>>) src(%arg9 : memref<128x128xf32, #tpu.memory_space<vmem>>) dst(%dma_wait3A_142 : memref<128x128xf32, #tpu.memory_space<hbm>>)
      tpu.yield
    }) : () -> ()
    %run_scoped3A_65 = arith.constant 1 : i32
    "tpu.region"() ({
      %run_scoped3A_130 = tpu.sem_alloc : memref<!tpu.dma_semaphore, #tpu.memory_space<semaphore_mem>>
      %dma_start3A_131 = arith.constant 0 : i32
      %dma_start3A_132 = tpu.memref_slice %arg6[%run_scoped3A_65, %add3A_63, %dma_start3A_131] : memref<2x16384x128xf32, #tpu.memory_space<hbm>> -> memref<1x128x128xf32, #tpu.memory_space<hbm>>
      %dma_start3A_133 = tpu.memref_squeeze %dma_start3A_132 : memref<1x128x128xf32, #tpu.memory_space<hbm>> -> memref<128x128xf32, #tpu.memory_space<hbm>>
      %dma_start3A_134 = arith.constant 0 : i32
      %dma_start3A_135 = tpu.memref_slice %arg6[%run_scoped3A_65, %add3A_63, %dma_start3A_134] : memref<2x16384x128xf32, #tpu.memory_space<hbm>> -> memref<1x128x128xf32, #tpu.memory_space<hbm>>
      %dma_start3A_136 = tpu.memref_squeeze %dma_start3A_135 : memref<1x128x128xf32, #tpu.memory_space<hbm>> -> memref<128x128xf32, #tpu.memory_space<hbm>>
      tpu.enqueue_dma source(%arg10 : memref<128x128xf32, #tpu.memory_space<vmem>>) target(%dma_start3A_136 : memref<128x128xf32, #tpu.memory_space<hbm>>) target_semaphore(%run_scoped3A_130 : memref<!tpu.dma_semaphore, #tpu.memory_space<semaphore_mem>>)
      %dma_wait3A_137 = arith.constant 0 : i32
      %dma_wait3A_138 = tpu.memref_slice %arg6[%run_scoped3A_65, %add3A_63, %dma_wait3A_137] : memref<2x16384x128xf32, #tpu.memory_space<hbm>> -> memref<1x128x128xf32, #tpu.memory_space<hbm>>
      %dma_wait3A_139 = tpu.memref_squeeze %dma_wait3A_138 : memref<1x128x128xf32, #tpu.memory_space<hbm>> -> memref<128x128xf32, #tpu.memory_space<hbm>>
      %dma_wait3A_140 = arith.constant 0 : i32
      %dma_wait3A_141 = tpu.memref_slice %arg6[%run_scoped3A_65, %add3A_63, %dma_wait3A_140] : memref<2x16384x128xf32, #tpu.memory_space<hbm>> -> memref<1x128x128xf32, #tpu.memory_space<hbm>>
      %dma_wait3A_142 = tpu.memref_squeeze %dma_wait3A_141 : memref<1x128x128xf32, #tpu.memory_space<hbm>> -> memref<128x128xf32, #tpu.memory_space<hbm>>
      tpu.wait_dma2 semaphore(%run_scoped3A_130 : memref<!tpu.dma_semaphore, #tpu.memory_space<semaphore_mem>>) src(%arg10 : memref<128x128xf32, #tpu.memory_space<vmem>>) dst(%dma_wait3A_142 : memref<128x128xf32, #tpu.memory_space<hbm>>)
      tpu.yield
    }) : () -> ()
    %dma_start3A_66 = arith.constant 2 : i32
    %dma_start3A_67 = arith.constant 0 : i32
    %dma_start3A_68 = tpu.memref_slice %arg7[%dma_start3A_66, %dma_start3A_67] : memref<4x128xi32, #tpu.memory_space<vmem>> -> memref<1x128xi32, #tpu.memory_space<vmem>>
    %dma_start3A_69 = tpu.memref_squeeze %dma_start3A_68 : memref<1x128xi32, #tpu.memory_space<vmem>> -> memref<128xi32, #tpu.memory_space<vmem>>
    %dma_start3A_70 = arith.constant 0 : i32
    %dma_start3A_71 = arith.constant 0 : i32
    %dma_start3A_72 = tpu.memref_slice %arg4[%dma_start3A_70, %dma_start3A_71] : memref<500000x128xf32, #tpu.memory_space<hbm>> -> memref<500000x128xf32, #tpu.memory_space<hbm>>
    tpu.enqueue_indirect_dma source(%dma_start3A_72 : memref<500000x128xf32, #tpu.memory_space<hbm>>) target(%arg9 : memref<128x128xf32, #tpu.memory_space<vmem>>) offsets(%dma_start3A_69 : memref<128xi32, #tpu.memory_space<vmem>>) semaphore(%arg11 : memref<!tpu.dma_semaphore, #tpu.memory_space<semaphore_mem>>)
    %dma_start3A_73 = arith.constant 2 : i32
    %dma_start3A_74 = arith.constant 0 : i32
    %dma_start3A_75 = tpu.memref_slice %arg8[%dma_start3A_73, %dma_start3A_74] : memref<4x128xi32, #tpu.memory_space<vmem>> -> memref<1x128xi32, #tpu.memory_space<vmem>>
    %dma_start3A_76 = tpu.memref_squeeze %dma_start3A_75 : memref<1x128xi32, #tpu.memory_space<vmem>> -> memref<128xi32, #tpu.memory_space<vmem>>
    %dma_start3A_77 = arith.constant 0 : i32
    %dma_start3A_78 = arith.constant 0 : i32
    %dma_start3A_79 = tpu.memref_slice %arg5[%dma_start3A_77, %dma_start3A_78] : memref<500000x128xf32, #tpu.memory_space<hbm>> -> memref<500000x128xf32, #tpu.memory_space<hbm>>
    tpu.enqueue_indirect_dma source(%dma_start3A_79 : memref<500000x128xf32, #tpu.memory_space<hbm>>) target(%arg10 : memref<128x128xf32, #tpu.memory_space<vmem>>) offsets(%dma_start3A_76 : memref<128xi32, #tpu.memory_space<vmem>>) semaphore(%arg11 : memref<!tpu.dma_semaphore, #tpu.memory_space<semaphore_mem>>)
    %dma_wait3A_80 = arith.constant 2 : i32
    %dma_wait3A_81 = arith.constant 0 : i32
    %dma_wait3A_82 = tpu.memref_slice %arg7[%dma_wait3A_80, %dma_wait3A_81] : memref<4x128xi32, #tpu.memory_space<vmem>> -> memref<1x128xi32, #tpu.memory_space<vmem>>
    %dma_wait3A_83 = tpu.memref_squeeze %dma_wait3A_82 : memref<1x128xi32, #tpu.memory_space<vmem>> -> memref<128xi32, #tpu.memory_space<vmem>>
    %dma_wait3A_84 = arith.constant 0 : i32
    %dma_wait3A_85 = arith.constant 0 : i32
    %dma_wait3A_86 = tpu.memref_slice %arg4[%dma_wait3A_84, %dma_wait3A_85] : memref<500000x128xf32, #tpu.memory_space<hbm>> -> memref<500000x128xf32, #tpu.memory_space<hbm>>
    tpu.wait_indirect_dma semaphore(%arg11 : memref<!tpu.dma_semaphore, #tpu.memory_space<semaphore_mem>>) src(%dma_wait3A_86 : memref<500000x128xf32, #tpu.memory_space<hbm>>) dst(%arg9 : memref<128x128xf32, #tpu.memory_space<vmem>>)
    %dma_wait3A_87 = arith.constant 2 : i32
    %dma_wait3A_88 = arith.constant 0 : i32
    %dma_wait3A_89 = tpu.memref_slice %arg8[%dma_wait3A_87, %dma_wait3A_88] : memref<4x128xi32, #tpu.memory_space<vmem>> -> memref<1x128xi32, #tpu.memory_space<vmem>>
    %dma_wait3A_90 = tpu.memref_squeeze %dma_wait3A_89 : memref<1x128xi32, #tpu.memory_space<vmem>> -> memref<128xi32, #tpu.memory_space<vmem>>
    %dma_wait3A_91 = arith.constant 0 : i32
    %dma_wait3A_92 = arith.constant 0 : i32
    %dma_wait3A_93 = tpu.memref_slice %arg5[%dma_wait3A_91, %dma_wait3A_92] : memref<500000x128xf32, #tpu.memory_space<hbm>> -> memref<500000x128xf32, #tpu.memory_space<hbm>>
    tpu.wait_indirect_dma semaphore(%arg11 : memref<!tpu.dma_semaphore, #tpu.memory_space<semaphore_mem>>) src(%dma_wait3A_93 : memref<500000x128xf32, #tpu.memory_space<hbm>>) dst(%arg10 : memref<128x128xf32, #tpu.memory_space<vmem>>)
    %add3A_94 = arith.constant 256 : i32
    %add3A_95 = arith.addi %mul3A_2, %add3A_94 : i32
    %run_scoped3A_96 = arith.constant 0 : i32
    "tpu.region"() ({
      %run_scoped3A_130 = tpu.sem_alloc : memref<!tpu.dma_semaphore, #tpu.memory_space<semaphore_mem>>
      %dma_start3A_131 = arith.constant 0 : i32
      %dma_start3A_132 = tpu.memref_slice %arg6[%run_scoped3A_96, %add3A_95, %dma_start3A_131] : memref<2x16384x128xf32, #tpu.memory_space<hbm>> -> memref<1x128x128xf32, #tpu.memory_space<hbm>>
      %dma_start3A_133 = tpu.memref_squeeze %dma_start3A_132 : memref<1x128x128xf32, #tpu.memory_space<hbm>> -> memref<128x128xf32, #tpu.memory_space<hbm>>
      %dma_start3A_134 = arith.constant 0 : i32
      %dma_start3A_135 = tpu.memref_slice %arg6[%run_scoped3A_96, %add3A_95, %dma_start3A_134] : memref<2x16384x128xf32, #tpu.memory_space<hbm>> -> memref<1x128x128xf32, #tpu.memory_space<hbm>>
      %dma_start3A_136 = tpu.memref_squeeze %dma_start3A_135 : memref<1x128x128xf32, #tpu.memory_space<hbm>> -> memref<128x128xf32, #tpu.memory_space<hbm>>
      tpu.enqueue_dma source(%arg9 : memref<128x128xf32, #tpu.memory_space<vmem>>) target(%dma_start3A_136 : memref<128x128xf32, #tpu.memory_space<hbm>>) target_semaphore(%run_scoped3A_130 : memref<!tpu.dma_semaphore, #tpu.memory_space<semaphore_mem>>)
      %dma_wait3A_137 = arith.constant 0 : i32
      %dma_wait3A_138 = tpu.memref_slice %arg6[%run_scoped3A_96, %add3A_95, %dma_wait3A_137] : memref<2x16384x128xf32, #tpu.memory_space<hbm>> -> memref<1x128x128xf32, #tpu.memory_space<hbm>>
      %dma_wait3A_139 = tpu.memref_squeeze %dma_wait3A_138 : memref<1x128x128xf32, #tpu.memory_space<hbm>> -> memref<128x128xf32, #tpu.memory_space<hbm>>
      %dma_wait3A_140 = arith.constant 0 : i32
      %dma_wait3A_141 = tpu.memref_slice %arg6[%run_scoped3A_96, %add3A_95, %dma_wait3A_140] : memref<2x16384x128xf32, #tpu.memory_space<hbm>> -> memref<1x128x128xf32, #tpu.memory_space<hbm>>
      %dma_wait3A_142 = tpu.memref_squeeze %dma_wait3A_141 : memref<1x128x128xf32, #tpu.memory_space<hbm>> -> memref<128x128xf32, #tpu.memory_space<hbm>>
      tpu.wait_dma2 semaphore(%run_scoped3A_130 : memref<!tpu.dma_semaphore, #tpu.memory_space<semaphore_mem>>) src(%arg9 : memref<128x128xf32, #tpu.memory_space<vmem>>) dst(%dma_wait3A_142 : memref<128x128xf32, #tpu.memory_space<hbm>>)
      tpu.yield
    }) : () -> ()
    %run_scoped3A_97 = arith.constant 1 : i32
    "tpu.region"() ({
      %run_scoped3A_130 = tpu.sem_alloc : memref<!tpu.dma_semaphore, #tpu.memory_space<semaphore_mem>>
      %dma_start3A_131 = arith.constant 0 : i32
      %dma_start3A_132 = tpu.memref_slice %arg6[%run_scoped3A_97, %add3A_95, %dma_start3A_131] : memref<2x16384x128xf32, #tpu.memory_space<hbm>> -> memref<1x128x128xf32, #tpu.memory_space<hbm>>
      %dma_start3A_133 = tpu.memref_squeeze %dma_start3A_132 : memref<1x128x128xf32, #tpu.memory_space<hbm>> -> memref<128x128xf32, #tpu.memory_space<hbm>>
      %dma_start3A_134 = arith.constant 0 : i32
      %dma_start3A_135 = tpu.memref_slice %arg6[%run_scoped3A_97, %add3A_95, %dma_start3A_134] : memref<2x16384x128xf32, #tpu.memory_space<hbm>> -> memref<1x128x128xf32, #tpu.memory_space<hbm>>
      %dma_start3A_136 = tpu.memref_squeeze %dma_start3A_135 : memref<1x128x128xf32, #tpu.memory_space<hbm>> -> memref<128x128xf32, #tpu.memory_space<hbm>>
      tpu.enqueue_dma source(%arg10 : memref<128x128xf32, #tpu.memory_space<vmem>>) target(%dma_start3A_136 : memref<128x128xf32, #tpu.memory_space<hbm>>) target_semaphore(%run_scoped3A_130 : memref<!tpu.dma_semaphore, #tpu.memory_space<semaphore_mem>>)
      %dma_wait3A_137 = arith.constant 0 : i32
      %dma_wait3A_138 = tpu.memref_slice %arg6[%run_scoped3A_97, %add3A_95, %dma_wait3A_137] : memref<2x16384x128xf32, #tpu.memory_space<hbm>> -> memref<1x128x128xf32, #tpu.memory_space<hbm>>
      %dma_wait3A_139 = tpu.memref_squeeze %dma_wait3A_138 : memref<1x128x128xf32, #tpu.memory_space<hbm>> -> memref<128x128xf32, #tpu.memory_space<hbm>>
      %dma_wait3A_140 = arith.constant 0 : i32
      %dma_wait3A_141 = tpu.memref_slice %arg6[%run_scoped3A_97, %add3A_95, %dma_wait3A_140] : memref<2x16384x128xf32, #tpu.memory_space<hbm>> -> memref<1x128x128xf32, #tpu.memory_space<hbm>>
      %dma_wait3A_142 = tpu.memref_squeeze %dma_wait3A_141 : memref<1x128x128xf32, #tpu.memory_space<hbm>> -> memref<128x128xf32, #tpu.memory_space<hbm>>
      tpu.wait_dma2 semaphore(%run_scoped3A_130 : memref<!tpu.dma_semaphore, #tpu.memory_space<semaphore_mem>>) src(%arg10 : memref<128x128xf32, #tpu.memory_space<vmem>>) dst(%dma_wait3A_142 : memref<128x128xf32, #tpu.memory_space<hbm>>)
      tpu.yield
    }) : () -> ()
    %dma_start3A_98 = arith.constant 3 : i32
    %dma_start3A_99 = arith.constant 0 : i32
    %dma_start3A_100 = tpu.memref_slice %arg7[%dma_start3A_98, %dma_start3A_99] : memref<4x128xi32, #tpu.memory_space<vmem>> -> memref<1x128xi32, #tpu.memory_space<vmem>>
    %dma_start3A_101 = tpu.memref_squeeze %dma_start3A_100 : memref<1x128xi32, #tpu.memory_space<vmem>> -> memref<128xi32, #tpu.memory_space<vmem>>
    %dma_start3A_102 = arith.constant 0 : i32
    %dma_start3A_103 = arith.constant 0 : i32
    %dma_start3A_104 = tpu.memref_slice %arg4[%dma_start3A_102, %dma_start3A_103] : memref<500000x128xf32, #tpu.memory_space<hbm>> -> memref<500000x128xf32, #tpu.memory_space<hbm>>
    tpu.enqueue_indirect_dma source(%dma_start3A_104 : memref<500000x128xf32, #tpu.memory_space<hbm>>) target(%arg9 : memref<128x128xf32, #tpu.memory_space<vmem>>) offsets(%dma_start3A_101 : memref<128xi32, #tpu.memory_space<vmem>>) semaphore(%arg11 : memref<!tpu.dma_semaphore, #tpu.memory_space<semaphore_mem>>)
    %dma_start3A_105 = arith.constant 3 : i32
    %dma_start3A_106 = arith.constant 0 : i32
    %dma_start3A_107 = tpu.memref_slice %arg8[%dma_start3A_105, %dma_start3A_106] : memref<4x128xi32, #tpu.memory_space<vmem>> -> memref<1x128xi32, #tpu.memory_space<vmem>>
    %dma_start3A_108 = tpu.memref_squeeze %dma_start3A_107 : memref<1x128xi32, #tpu.memory_space<vmem>> -> memref<128xi32, #tpu.memory_space<vmem>>
    %dma_start3A_109 = arith.constant 0 : i32
    %dma_start3A_110 = arith.constant 0 : i32
    %dma_start3A_111 = tpu.memref_slice %arg5[%dma_start3A_109, %dma_start3A_110] : memref<500000x128xf32, #tpu.memory_space<hbm>> -> memref<500000x128xf32, #tpu.memory_space<hbm>>
    tpu.enqueue_indirect_dma source(%dma_start3A_111 : memref<500000x128xf32, #tpu.memory_space<hbm>>) target(%arg10 : memref<128x128xf32, #tpu.memory_space<vmem>>) offsets(%dma_start3A_108 : memref<128xi32, #tpu.memory_space<vmem>>) semaphore(%arg11 : memref<!tpu.dma_semaphore, #tpu.memory_space<semaphore_mem>>)
    %dma_wait3A_112 = arith.constant 3 : i32
    %dma_wait3A_113 = arith.constant 0 : i32
    %dma_wait3A_114 = tpu.memref_slice %arg7[%dma_wait3A_112, %dma_wait3A_113] : memref<4x128xi32, #tpu.memory_space<vmem>> -> memref<1x128xi32, #tpu.memory_space<vmem>>
    %dma_wait3A_115 = tpu.memref_squeeze %dma_wait3A_114 : memref<1x128xi32, #tpu.memory_space<vmem>> -> memref<128xi32, #tpu.memory_space<vmem>>
    %dma_wait3A_116 = arith.constant 0 : i32
    %dma_wait3A_117 = arith.constant 0 : i32
    %dma_wait3A_118 = tpu.memref_slice %arg4[%dma_wait3A_116, %dma_wait3A_117] : memref<500000x128xf32, #tpu.memory_space<hbm>> -> memref<500000x128xf32, #tpu.memory_space<hbm>>
    tpu.wait_indirect_dma semaphore(%arg11 : memref<!tpu.dma_semaphore, #tpu.memory_space<semaphore_mem>>) src(%dma_wait3A_118 : memref<500000x128xf32, #tpu.memory_space<hbm>>) dst(%arg9 : memref<128x128xf32, #tpu.memory_space<vmem>>)
    %dma_wait3A_119 = arith.constant 3 : i32
    %dma_wait3A_120 = arith.constant 0 : i32
    %dma_wait3A_121 = tpu.memref_slice %arg8[%dma_wait3A_119, %dma_wait3A_120] : memref<4x128xi32, #tpu.memory_space<vmem>> -> memref<1x128xi32, #tpu.memory_space<vmem>>
    %dma_wait3A_122 = tpu.memref_squeeze %dma_wait3A_121 : memref<1x128xi32, #tpu.memory_space<vmem>> -> memref<128xi32, #tpu.memory_space<vmem>>
    %dma_wait3A_123 = arith.constant 0 : i32
    %dma_wait3A_124 = arith.constant 0 : i32
    %dma_wait3A_125 = tpu.memref_slice %arg5[%dma_wait3A_123, %dma_wait3A_124] : memref<500000x128xf32, #tpu.memory_space<hbm>> -> memref<500000x128xf32, #tpu.memory_space<hbm>>
    tpu.wait_indirect_dma semaphore(%arg11 : memref<!tpu.dma_semaphore, #tpu.memory_space<semaphore_mem>>) src(%dma_wait3A_125 : memref<500000x128xf32, #tpu.memory_space<hbm>>) dst(%arg10 : memref<128x128xf32, #tpu.memory_space<vmem>>)
    %add3A_126 = arith.constant 384 : i32
    %add3A_127 = arith.addi %mul3A_2, %add3A_126 : i32
    %run_scoped3A_128 = arith.constant 0 : i32
    "tpu.region"() ({
      %run_scoped3A_130 = tpu.sem_alloc : memref<!tpu.dma_semaphore, #tpu.memory_space<semaphore_mem>>
      %dma_start3A_131 = arith.constant 0 : i32
      %dma_start3A_132 = tpu.memref_slice %arg6[%run_scoped3A_128, %add3A_127, %dma_start3A_131] : memref<2x16384x128xf32, #tpu.memory_space<hbm>> -> memref<1x128x128xf32, #tpu.memory_space<hbm>>
      %dma_start3A_133 = tpu.memref_squeeze %dma_start3A_132 : memref<1x128x128xf32, #tpu.memory_space<hbm>> -> memref<128x128xf32, #tpu.memory_space<hbm>>
      %dma_start3A_134 = arith.constant 0 : i32
      %dma_start3A_135 = tpu.memref_slice %arg6[%run_scoped3A_128, %add3A_127, %dma_start3A_134] : memref<2x16384x128xf32, #tpu.memory_space<hbm>> -> memref<1x128x128xf32, #tpu.memory_space<hbm>>
      %dma_start3A_136 = tpu.memref_squeeze %dma_start3A_135 : memref<1x128x128xf32, #tpu.memory_space<hbm>> -> memref<128x128xf32, #tpu.memory_space<hbm>>
      tpu.enqueue_dma source(%arg9 : memref<128x128xf32, #tpu.memory_space<vmem>>) target(%dma_start3A_136 : memref<128x128xf32, #tpu.memory_space<hbm>>) target_semaphore(%run_scoped3A_130 : memref<!tpu.dma_semaphore, #tpu.memory_space<semaphore_mem>>)
      %dma_wait3A_137 = arith.constant 0 : i32
      %dma_wait3A_138 = tpu.memref_slice %arg6[%run_scoped3A_128, %add3A_127, %dma_wait3A_137] : memref<2x16384x128xf32, #tpu.memory_space<hbm>> -> memref<1x128x128xf32, #tpu.memory_space<hbm>>
      %dma_wait3A_139 = tpu.memref_squeeze %dma_wait3A_138 : memref<1x128x128xf32, #tpu.memory_space<hbm>> -> memref<128x128xf32, #tpu.memory_space<hbm>>
      %dma_wait3A_140 = arith.constant 0 : i32
      %dma_wait3A_141 = tpu.memref_slice %arg6[%run_scoped3A_128, %add3A_127, %dma_wait3A_140] : memref<2x16384x128xf32, #tpu.memory_space<hbm>> -> memref<1x128x128xf32, #tpu.memory_space<hbm>>
      %dma_wait3A_142 = tpu.memref_squeeze %dma_wait3A_141 : memref<1x128x128xf32, #tpu.memory_space<hbm>> -> memref<128x128xf32, #tpu.memory_space<hbm>>
      tpu.wait_dma2 semaphore(%run_scoped3A_130 : memref<!tpu.dma_semaphore, #tpu.memory_space<semaphore_mem>>) src(%arg9 : memref<128x128xf32, #tpu.memory_space<vmem>>) dst(%dma_wait3A_142 : memref<128x128xf32, #tpu.memory_space<hbm>>)
      tpu.yield
    }) : () -> ()
    %run_scoped3A_129 = arith.constant 1 : i32
    "tpu.region"() ({
      %run_scoped3A_130 = tpu.sem_alloc : memref<!tpu.dma_semaphore, #tpu.memory_space<semaphore_mem>>
      %dma_start3A_131 = arith.constant 0 : i32
      %dma_start3A_132 = tpu.memref_slice %arg6[%run_scoped3A_129, %add3A_127, %dma_start3A_131] : memref<2x16384x128xf32, #tpu.memory_space<hbm>> -> memref<1x128x128xf32, #tpu.memory_space<hbm>>
      %dma_start3A_133 = tpu.memref_squeeze %dma_start3A_132 : memref<1x128x128xf32, #tpu.memory_space<hbm>> -> memref<128x128xf32, #tpu.memory_space<hbm>>
      %dma_start3A_134 = arith.constant 0 : i32
      %dma_start3A_135 = tpu.memref_slice %arg6[%run_scoped3A_129, %add3A_127, %dma_start3A_134] : memref<2x16384x128xf32, #tpu.memory_space<hbm>> -> memref<1x128x128xf32, #tpu.memory_space<hbm>>
      %dma_start3A_136 = tpu.memref_squeeze %dma_start3A_135 : memref<1x128x128xf32, #tpu.memory_space<hbm>> -> memref<128x128xf32, #tpu.memory_space<hbm>>
      tpu.enqueue_dma source(%arg10 : memref<128x128xf32, #tpu.memory_space<vmem>>) target(%dma_start3A_136 : memref<128x128xf32, #tpu.memory_space<hbm>>) target_semaphore(%run_scoped3A_130 : memref<!tpu.dma_semaphore, #tpu.memory_space<semaphore_mem>>)
      %dma_wait3A_137 = arith.constant 0 : i32
      %dma_wait3A_138 = tpu.memref_slice %arg6[%run_scoped3A_129, %add3A_127, %dma_wait3A_137] : memref<2x16384x128xf32, #tpu.memory_space<hbm>> -> memref<1x128x128xf32, #tpu.memory_space<hbm>>
      %dma_wait3A_139 = tpu.memref_squeeze %dma_wait3A_138 : memref<1x128x128xf32, #tpu.memory_space<hbm>> -> memref<128x128xf32, #tpu.memory_space<hbm>>
      %dma_wait3A_140 = arith.constant 0 : i32
      %dma_wait3A_141 = tpu.memref_slice %arg6[%run_scoped3A_129, %add3A_127, %dma_wait3A_140] : memref<2x16384x128xf32, #tpu.memory_space<hbm>> -> memref<1x128x128xf32, #tpu.memory_space<hbm>>
      %dma_wait3A_142 = tpu.memref_squeeze %dma_wait3A_141 : memref<1x128x128xf32, #tpu.memory_space<hbm>> -> memref<128x128xf32, #tpu.memory_space<hbm>>
      tpu.wait_dma2 semaphore(%run_scoped3A_130 : memref<!tpu.dma_semaphore, #tpu.memory_space<semaphore_mem>>) src(%arg10 : memref<128x128xf32, #tpu.memory_space<vmem>>) dst(%dma_wait3A_142 : memref<128x128xf32, #tpu.memory_space<hbm>>)
      tpu.yield
    }) : () -> ()
    return
  }
}

module attributes {stable_mosaic.version = 14 : i64} {
  func.func @_mlp_body(%arg0: i32, %arg1: memref<2x2048x128xf32, #tpu.memory_space<vmem>>, %arg2: memref<2048x1xf32, #tpu.memory_space<vmem>>, %arg3: memref<2048x1xf32, #tpu.memory_space<vmem>>, %arg4: memref<64x32xf32, #tpu.memory_space<vmem>>, %arg5: memref<64x32xf32, #tpu.memory_space<vmem>>, %arg6: memref<1x32xf32, #tpu.memory_space<vmem>>, %arg7: memref<32x16xf32, #tpu.memory_space<vmem>>, %arg8: memref<1x16xf32, #tpu.memory_space<vmem>>, %arg9: memref<16x8xf32, #tpu.memory_space<vmem>>, %arg10: memref<1x8xf32, #tpu.memory_space<vmem>>, %arg11: memref<8x1xf32, #tpu.memory_space<vmem>>, %arg12: memref<1x1xf32, #tpu.memory_space<vmem>>, %arg13: memref<2048x1xf32, #tpu.memory_space<vmem>>) attributes {dimension_semantics = [#tpu.dimension_semantics<arbitrary>], iteration_bounds = array<i64: 8>, scalar_prefetch = 0 : i64, scratch_operands = 0 : i64, tpu.core_type = #tpu.core_type<tc>, window_params = [{transform_indices = @transform_0, window_bounds = array<i64: 2, 2048, 128>}, {transform_indices = @transform_1, window_bounds = array<i64: 2048, 1>}, {transform_indices = @transform_2, window_bounds = array<i64: 2048, 1>}, {pipeline_mode = #tpu.pipeline_mode<synchronous>, transform_indices = @transform_3, window_bounds = array<i64: 64, 32>}, {pipeline_mode = #tpu.pipeline_mode<synchronous>, transform_indices = @transform_4, window_bounds = array<i64: 64, 32>}, {pipeline_mode = #tpu.pipeline_mode<synchronous>, transform_indices = @transform_5, window_bounds = array<i64: 1, 32>}, {pipeline_mode = #tpu.pipeline_mode<synchronous>, transform_indices = @transform_6, window_bounds = array<i64: 32, 16>}, {pipeline_mode = #tpu.pipeline_mode<synchronous>, transform_indices = @transform_7, window_bounds = array<i64: 1, 16>}, {pipeline_mode = #tpu.pipeline_mode<synchronous>, transform_indices = @transform_8, window_bounds = array<i64: 16, 8>}, {pipeline_mode = #tpu.pipeline_mode<synchronous>, transform_indices = @transform_9, window_bounds = array<i64: 1, 8>}, {pipeline_mode = #tpu.pipeline_mode<synchronous>, transform_indices = @transform_10, window_bounds = array<i64: 8, 1>}, {pipeline_mode = #tpu.pipeline_mode<synchronous>, transform_indices = @transform_11, window_bounds = array<i64: 1, 1>}, {transform_indices = @transform_12, window_bounds = array<i64: 2048, 1>}]} {
    %get3A = arith.constant 0 : index
    %get3A_0 = arith.constant 0 : index
    %get3A_1 = arith.constant 0 : index
    %get3A_2 = vector.load %arg1[%get3A, %get3A_0, %get3A_1] : memref<2x2048x128xf32, #tpu.memory_space<vmem>>, vector<1x2048x128xf32>
    %get3A_3 = vector.shape_cast %get3A_2 : vector<1x2048x128xf32> to vector<2048x128xf32>
    %get3A_4 = arith.constant 1 : index
    %get3A_5 = arith.constant 0 : index
    %get3A_6 = arith.constant 0 : index
    %get3A_7 = vector.load %arg1[%get3A_4, %get3A_5, %get3A_6] : memref<2x2048x128xf32, #tpu.memory_space<vmem>>, vector<1x2048x128xf32>
    %get3A_8 = vector.shape_cast %get3A_7 : vector<1x2048x128xf32> to vector<2048x128xf32>
    %get3A_9 = arith.constant 0 : index
    %get3A_10 = arith.constant 0 : index
    %get3A_11 = vector.load %arg2[%get3A_9, %get3A_10] : memref<2048x1xf32, #tpu.memory_space<vmem>>, vector<2048x1xf32>
    %gt3A = arith.constant 0.000000e+00 : f32
    %gt3A_12 = vector.broadcast %gt3A : f32 to vector<2048x1xf32>
    %gt3A_13 = arith.cmpf ogt, %get3A_11, %gt3A_12 : vector<2048x1xf32>
    %slice3A = vector.extract_strided_slice %get3A_3 {offsets = [0, 64], sizes = [2048, 64], strides = [1, 1]} : vector<2048x128xf32> to vector<2048x64xf32>
    %slice3A_14 = vector.extract_strided_slice %get3A_3 {offsets = [0, 0], sizes = [2048, 64], strides = [1, 1]} : vector<2048x128xf32> to vector<2048x64xf32>
    %broadcast_in_dim3A = vector.shape_cast %gt3A_13 : vector<2048x1xi1> to vector<2048x1xi1>
    %broadcast_in_dim3A_15 = vector.broadcast %broadcast_in_dim3A : vector<2048x1xi1> to vector<2048x64xi1>
    %select_n3A = arith.select %broadcast_in_dim3A_15, %slice3A, %slice3A_14 : vector<2048x64xi1>, vector<2048x64xf32>
    %get3A_16 = arith.constant 0 : index
    %get3A_17 = arith.constant 0 : index
    %get3A_18 = vector.load %arg3[%get3A_16, %get3A_17] : memref<2048x1xf32, #tpu.memory_space<vmem>>, vector<2048x1xf32>
    %gt3A_19 = arith.constant 0.000000e+00 : f32
    %gt3A_20 = vector.broadcast %gt3A_19 : f32 to vector<2048x1xf32>
    %gt3A_21 = arith.cmpf ogt, %get3A_18, %gt3A_20 : vector<2048x1xf32>
    %slice3A_22 = vector.extract_strided_slice %get3A_8 {offsets = [0, 64], sizes = [2048, 64], strides = [1, 1]} : vector<2048x128xf32> to vector<2048x64xf32>
    %slice3A_23 = vector.extract_strided_slice %get3A_8 {offsets = [0, 0], sizes = [2048, 64], strides = [1, 1]} : vector<2048x128xf32> to vector<2048x64xf32>
    %broadcast_in_dim3A_24 = vector.shape_cast %gt3A_21 : vector<2048x1xi1> to vector<2048x1xi1>
    %broadcast_in_dim3A_25 = vector.broadcast %broadcast_in_dim3A_24 : vector<2048x1xi1> to vector<2048x64xi1>
    %select_n3A_26 = arith.select %broadcast_in_dim3A_25, %slice3A_22, %slice3A_23 : vector<2048x64xi1>, vector<2048x64xf32>
    %get3A_27 = arith.constant 0 : index
    %get3A_28 = arith.constant 0 : index
    %get3A_29 = vector.load %arg4[%get3A_27, %get3A_28] : memref<64x32xf32, #tpu.memory_space<vmem>>, vector<64x32xf32>
    %dot_general3A = arith.constant dense<0.000000e+00> : vector<2048x32xf32>
    %dot_general3A_30 = tpu.matmul %select_n3A, %get3A_29, %dot_general3A {dimension_numbers = #tpu.dot_dimension_numbers<[1], [0], [0], [1], [0, 0, 1, 1], [], []>, transpose_lhs_hint = false} : vector<2048x64xf32>, vector<64x32xf32>, vector<2048x32xf32> -> vector<2048x32xf32>
    %get3A_31 = arith.constant 0 : index
    %get3A_32 = arith.constant 0 : index
    %get3A_33 = vector.load %arg5[%get3A_31, %get3A_32] : memref<64x32xf32, #tpu.memory_space<vmem>>, vector<64x32xf32>
    %dot_general3A_34 = arith.constant dense<0.000000e+00> : vector<2048x32xf32>
    %dot_general3A_35 = tpu.matmul %select_n3A_26, %get3A_33, %dot_general3A_34 {dimension_numbers = #tpu.dot_dimension_numbers<[1], [0], [0], [1], [0, 0, 1, 1], [], []>, transpose_lhs_hint = false} : vector<2048x64xf32>, vector<64x32xf32>, vector<2048x32xf32> -> vector<2048x32xf32>
    %add3A = arith.addf %dot_general3A_30, %dot_general3A_35 : vector<2048x32xf32>
    %get3A_36 = arith.constant 0 : index
    %get3A_37 = arith.constant 0 : index
    %get3A_38 = vector.load %arg6[%get3A_36, %get3A_37] : memref<1x32xf32, #tpu.memory_space<vmem>>, vector<1x32xf32>
    %add3A_39 = vector.broadcast %get3A_38 : vector<1x32xf32> to vector<2048x32xf32>
    %add3A_40 = arith.addf %add3A, %add3A_39 : vector<2048x32xf32>
    %max3A = arith.constant 0.000000e+00 : f32
    %max3A_41 = vector.broadcast %max3A : f32 to vector<2048x32xf32>
    %max3A_42 = arith.maximumf %add3A_40, %max3A_41 : vector<2048x32xf32>
    %get3A_43 = arith.constant 0 : index
    %get3A_44 = arith.constant 0 : index
    %get3A_45 = vector.load %arg7[%get3A_43, %get3A_44] : memref<32x16xf32, #tpu.memory_space<vmem>>, vector<32x16xf32>
    %dot_general3A_46 = arith.constant dense<0.000000e+00> : vector<2048x16xf32>
    %dot_general3A_47 = tpu.matmul %max3A_42, %get3A_45, %dot_general3A_46 {dimension_numbers = #tpu.dot_dimension_numbers<[1], [0], [0], [1], [0, 0, 1, 1], [], []>, transpose_lhs_hint = false} : vector<2048x32xf32>, vector<32x16xf32>, vector<2048x16xf32> -> vector<2048x16xf32>
    %get3A_48 = arith.constant 0 : index
    %get3A_49 = arith.constant 0 : index
    %get3A_50 = vector.load %arg8[%get3A_48, %get3A_49] : memref<1x16xf32, #tpu.memory_space<vmem>>, vector<1x16xf32>
    %add3A_51 = vector.broadcast %get3A_50 : vector<1x16xf32> to vector<2048x16xf32>
    %add3A_52 = arith.addf %dot_general3A_47, %add3A_51 : vector<2048x16xf32>
    %max3A_53 = arith.constant 0.000000e+00 : f32
    %max3A_54 = vector.broadcast %max3A_53 : f32 to vector<2048x16xf32>
    %max3A_55 = arith.maximumf %add3A_52, %max3A_54 : vector<2048x16xf32>
    %get3A_56 = arith.constant 0 : index
    %get3A_57 = arith.constant 0 : index
    %get3A_58 = vector.load %arg9[%get3A_56, %get3A_57] : memref<16x8xf32, #tpu.memory_space<vmem>>, vector<16x8xf32>
    %dot_general3A_59 = arith.constant dense<0.000000e+00> : vector<2048x8xf32>
    %dot_general3A_60 = tpu.matmul %max3A_55, %get3A_58, %dot_general3A_59 {dimension_numbers = #tpu.dot_dimension_numbers<[1], [0], [0], [1], [0, 0, 1, 1], [], []>, transpose_lhs_hint = false} : vector<2048x16xf32>, vector<16x8xf32>, vector<2048x8xf32> -> vector<2048x8xf32>
    %get3A_61 = arith.constant 0 : index
    %get3A_62 = arith.constant 0 : index
    %get3A_63 = vector.load %arg10[%get3A_61, %get3A_62] : memref<1x8xf32, #tpu.memory_space<vmem>>, vector<1x8xf32>
    %add3A_64 = vector.broadcast %get3A_63 : vector<1x8xf32> to vector<2048x8xf32>
    %add3A_65 = arith.addf %dot_general3A_60, %add3A_64 : vector<2048x8xf32>
    %max3A_66 = arith.constant 0.000000e+00 : f32
    %max3A_67 = vector.broadcast %max3A_66 : f32 to vector<2048x8xf32>
    %max3A_68 = arith.maximumf %add3A_65, %max3A_67 : vector<2048x8xf32>
    %get3A_69 = arith.constant 0 : index
    %get3A_70 = arith.constant 0 : index
    %get3A_71 = vector.load %arg11[%get3A_69, %get3A_70] : memref<8x1xf32, #tpu.memory_space<vmem>>, vector<8x1xf32>
    %dot_general3A_72 = arith.constant dense<0.000000e+00> : vector<2048x1xf32>
    %dot_general3A_73 = tpu.matmul %max3A_68, %get3A_71, %dot_general3A_72 {dimension_numbers = #tpu.dot_dimension_numbers<[1], [0], [0], [1], [0, 0, 1, 1], [], []>, transpose_lhs_hint = false} : vector<2048x8xf32>, vector<8x1xf32>, vector<2048x1xf32> -> vector<2048x1xf32>
    %get3A_74 = arith.constant 0 : index
    %get3A_75 = arith.constant 0 : index
    %get3A_76 = vector.load %arg12[%get3A_74, %get3A_75] : memref<1x1xf32, #tpu.memory_space<vmem>>, vector<1x1xf32>
    %add3A_77 = vector.broadcast %get3A_76 : vector<1x1xf32> to vector<2048x1xf32>
    %add3A_78 = arith.addf %dot_general3A_73, %add3A_77 : vector<2048x1xf32>
    %swap3A = arith.constant 0 : index
    %swap3A_79 = arith.constant 0 : index
    %swap3A_80 = vector.load %arg13[%swap3A, %swap3A_79] : memref<2048x1xf32, #tpu.memory_space<vmem>>, vector<2048x1xf32>
    tpu.vector_store %arg13[%swap3A, %swap3A_79], %add3A_78 {strides = array<i32>} : memref<2048x1xf32, #tpu.memory_space<vmem>>, vector<2048x1xf32>,
    return
  }
  func.func @transform_0(%arg0: i32) -> (i32, i32, i32) {
    %c0_i32 = arith.constant 0 : i32
    %c0_i32_0 = arith.constant 0 : i32
    %c0_i32_1 = arith.constant 0 : i32
    return %c0_i32, %arg0, %c0_i32_0 : i32, i32, i32
  }
  func.func @transform_1(%arg0: i32) -> (i32, i32) {
    %c0_i32 = arith.constant 0 : i32
    %c0_i32_0 = arith.constant 0 : i32
    return %arg0, %c0_i32 : i32, i32
  }
  func.func @transform_2(%arg0: i32) -> (i32, i32) {
    %c0_i32 = arith.constant 0 : i32
    %c0_i32_0 = arith.constant 0 : i32
    return %arg0, %c0_i32 : i32, i32
  }
  func.func @transform_3(%arg0: i32) -> (i32, i32) {
    %c0_i32 = arith.constant 0 : i32
    %c0_i32_0 = arith.constant 0 : i32
    %c0_i32_1 = arith.constant 0 : i32
    return %c0_i32, %c0_i32_0 : i32, i32
  }
  func.func @transform_4(%arg0: i32) -> (i32, i32) {
    %c0_i32 = arith.constant 0 : i32
    %c0_i32_0 = arith.constant 0 : i32
    %c0_i32_1 = arith.constant 0 : i32
    return %c0_i32, %c0_i32_0 : i32, i32
  }
  func.func @transform_5(%arg0: i32) -> (i32, i32) {
    %c0_i32 = arith.constant 0 : i32
    %c0_i32_0 = arith.constant 0 : i32
    %c0_i32_1 = arith.constant 0 : i32
    return %c0_i32, %c0_i32_0 : i32, i32
  }
  func.func @transform_6(%arg0: i32) -> (i32, i32) {
    %c0_i32 = arith.constant 0 : i32
    %c0_i32_0 = arith.constant 0 : i32
    %c0_i32_1 = arith.constant 0 : i32
    return %c0_i32, %c0_i32_0 : i32, i32
  }
  func.func @transform_7(%arg0: i32) -> (i32, i32) {
    %c0_i32 = arith.constant 0 : i32
    %c0_i32_0 = arith.constant 0 : i32
    %c0_i32_1 = arith.constant 0 : i32
    return %c0_i32, %c0_i32_0 : i32, i32
  }
  func.func @transform_8(%arg0: i32) -> (i32, i32) {
    %c0_i32 = arith.constant 0 : i32
    %c0_i32_0 = arith.constant 0 : i32
    %c0_i32_1 = arith.constant 0 : i32
    return %c0_i32, %c0_i32_0 : i32, i32
  }
  func.func @transform_9(%arg0: i32) -> (i32, i32) {
    %c0_i32 = arith.constant 0 : i32
    %c0_i32_0 = arith.constant 0 : i32
    %c0_i32_1 = arith.constant 0 : i32
    return %c0_i32, %c0_i32_0 : i32, i32
  }
  func.func @transform_10(%arg0: i32) -> (i32, i32) {
    %c0_i32 = arith.constant 0 : i32
    %c0_i32_0 = arith.constant 0 : i32
    %c0_i32_1 = arith.constant 0 : i32
    return %c0_i32, %c0_i32_0 : i32, i32
  }
  func.func @transform_11(%arg0: i32) -> (i32, i32) {
    %c0_i32 = arith.constant 0 : i32
    %c0_i32_0 = arith.constant 0 : i32
    %c0_i32_1 = arith.constant 0 : i32
    return %c0_i32, %c0_i32_0 : i32, i32
  }
  func.func @transform_12(%arg0: i32) -> (i32, i32) {
    %c0_i32 = arith.constant 0 : i32
    %c0_i32_0 = arith.constant 0 : i32
    return %arg0, %c0_i32 : i32, i32
  }
}

</mosaic_0001>

<sc_bundles>
// kernel: kernel.4.cloned.1.call-start
scs
__scs_entry_jumppad:
0x0: {  	(pc) =	sbr.rel $0x88, $3  }
0x1: {  	(tag) =	ssettag $0x0;
	lr =	simm.s32 $0x1  }
0x2: {  	[smem:$0x3F95] =	sst lr;
	_ =	strace $0xD0000000  }
0x3: {  	_ = 	snop  }
0x4: {  	_ = 	snop  }
0x5: {  	_ = 	snop  }
0x6: {  	_ = 	snop  }
0x7: {  	_ = 	snop  }
__scs_overlays_trampoline_lowered:
0x8: {  	[smem:$0x3FA4] =	sst s0  }
0x9: {  	[smem:$0x3FA5] =	sst s1  }
0xa: {  	[smem:$0x3FA6] =	sst s2  }
0xb: {  	[smem:$0x3FA7] =	sst s3  }
0xc: {  	[smem:$0x3FA8] =	sst s4  }
0xd: {  	[smem:$0x3FA9] =	sst s5  }
0xe: {  	[smem:$0x3FAA] =	sst s6  }
0xf: {  	[smem:$0x3FAB] =	sst s7  }
0x10: {  	[smem:$0x3FAC] =	sst s8  }
0x11: {  	[smem:$0x3FAD] =	sst s9;
	s0 =	simm.s32 @!p0 $0x0  }
0x12: {  	s1 =	sld [smem:$0x3F93];
	s0 =	simm.s32 @p0 $0x1  }
0x13: {  	[smem:$0x3FAE] =	sst s0;
	s0 =	simm.s32 @!p1 $0x0  }
0x14: {  	s2 =	sld [smem:$0x3F92];
	s0 =	simm.s32 @p1 $0x1  }
0x15: {  	[smem:$0x3FAF] =	sst s0;
	s0 =	simm.s32 @!p2 $0x0  }
0x16: {  	s3 =	sld [smem:$0x3FDB];
	s0 =	simm.s32 @p2 $0x1  }
0x17: {  	s4 =	simm.s32 $0x1BF5;
	[smem:$0x3FB1] =	sst s0  }
0x18: {  	s0 =	sld [smem:$0x3F94];
	_ =	swait.ge [sflag:s4], $0x0  }
0x19: {  	s7 =	sld [smem:$0x3F95]  }
0x1a: {  	s8 =	sadd.s32 $0xFFFFE003, lr  }
0x1b: {  	s9 =	sadd.s32 $0xFFFFFEF7, lr;
	s5 =	simm.s32 $0xFFFFFFFF;
	p2 =	slt.u32 s8, $0xFFFFF086  }
0x1c: {  	p1 =	slt.u32 s9, $0xF7A;
	s5 =	simm.s32 @!p2 $0x0  }
0x1d: {  	s5 =	simm.s32 @p1 $0x1;
	p0 =	seq.s32 s7, s2  }
0x1e: {  	s7 =	smul.u32 @!p0 $0xF7A, s2;
	p2 =	seq.s32 @!p0 s5, $0x0  }
0x1f: {  	s9 =	smul.u32 $0xF7A, s1;
	s8 =	simm.s32 @!p0 $0x1BF5;
	p2 =	por !p2, p0  }
0x20: {  	[sflag:s8] =	ssyncset.s32 @!p0 $0xFFFFF086;
	s6 =	sadd.s32 @!p0 s3, s7;
	s7 =	simm.s32 @!p0 $0x108  }
0x21: {  	s3 =	sadd.s32 s3, s9;
	s6 =	sadd.s32 @!p0 $0x88, s6;
	s7 =	simm.s32 @p2 $0x1082  }
0x22: {  	[simem:s7], [sflag:s8] =	dma.local @!p0 [hbm:s6], $0xF7A  }
0x23: {  	s9 =	sor.u32 $0xD0000000, s2;
	s6 =	simm.s32 $0x108;
	_ =	swait.ge @!p0 [sflag:s8], $0x0  }
0x24: {  	s3 =	sadd.s32 $0x88, s3;
	s6 =	simm.s32 @!p1 $0x1082;
	[sflag:s4] =	ssyncset.s32 $0xFFFFF086  }
0x25: {  	[simem:s6], [sflag:s4] =	dma.local [hbm:s3], $0xF7A  }
0x26: {  	[smem:$0x3F95] =	sst s1;
	(tag) =	ssettag s2;
	_ =	strace s9  }
0x27: {  	s1 =	sld [smem:$0x3FA5]  }
0x28: {  	s2 =	sld [smem:$0x3FA6]  }
0x29: {  	s4 =	sld [smem:$0x3FA8]  }
0x2a: {  	p0 =	seq.s32 s5, $0x0;
	s5 =	sld [smem:$0x3FA9]  }
0x2b: {  	s6 =	sld [smem:$0x3FAA]  }
0x2c: {  	s7 =	sld [smem:$0x3FAB]  }
0x2d: {  	s3 =	simm.s32 $0x108;
	s8 =	sld [smem:$0x3FAC]  }
0x2e: {  	s3 =	simm.s32 @!p0 $0x1082;
	s9 =	sld [smem:$0x3FAD]  }
0x2f: {  	lr =	sadd.s32 s0, s3;
	s0 =	sld [smem:$0x3FA4]  }
0x30: {  	s3 =	sld [smem:$0x3FA7]  }
0x31: {  	[smem:$0x3FB0] =	sst s10  }
0x32: {  	s10 =	sld [smem:$0x3FAE];
	_ =	sdelay $0x3  }
0x33: {  	p0 =	seq.s32 s10, $0x1;
	s10 =	sld [smem:$0x3FB0];
	_ =	sdelay $0x3  }
0x34: {  	[smem:$0x3FB0] =	sst s10  }
0x35: {  	s10 =	sld [smem:$0x3FAF];
	_ =	sdelay $0x3  }
0x36: {  	p1 =	seq.s32 s10, $0x1;
	s10 =	sld [smem:$0x3FB0];
	_ =	sdelay $0x3  }
0x37: {  	[smem:$0x3FB0] =	sst s10  }
0x38: {  	s10 =	sld [smem:$0x3FB1]  }
0x39: {  	_ = 	snop;
	(pc) =	sbr.ind lr, $3  }
0x3a: {  	_ = 	snop  }
0x3b: {  	_ = 	snop  }
0x3c: {  	p2 =	seq.s32 s10, $0x1;
	s10 =	sld [smem:$0x3FB0]  }
0x3d: {  	_ =	shalt  }
0x3e: {  	_ =	shalt  }
0x3f: {  	_ =	shalt  }
0x40: {  	_ =	shalt  }
0x41: {  	_ =	shalt  }
0x42: {  	_ =	shalt  }
0x43: {  	_ =	shalt  }
0x44: {  	_ =	shalt  }
0x45: {  	_ =	shalt  }
0x46: {  	_ =	shalt  }
0x47: {  	_ =	shalt  }
0x48: {  	_ =	shalt  }
0x49: {  	_ =	shalt  }
0x4a: {  	_ =	shalt  }
0x4b: {  	_ =	shalt  }
0x4c: {  	_ =	shalt  }
0x4d: {  	_ =	shalt  }
0x4e: {  	_ =	shalt  }
0x4f: {  	_ =	shalt  }
0x50: {  	_ =	shalt  }
0x51: {  	_ =	shalt  }
0x52: {  	_ =	shalt  }
0x53: {  	_ =	shalt  }
0x54: {  	_ =	shalt  }
0x55: {  	_ =	shalt  }
0x56: {  	_ =	shalt  }
0x57: {  	_ =	shalt  }
0x58: {  	_ =	shalt  }
0x59: {  	_ =	shalt  }
0x5a: {  	_ =	shalt  }
0x5b: {  	_ =	shalt  }
0x5c: {  	_ =	shalt  }
0x5d: {  	_ =	shalt  }
0x5e: {  	_ =	shalt  }
0x5f: {  	_ =	shalt  }
0x60: {  	_ =	shalt  }
0x61: {  	_ =	shalt  }
0x62: {  	_ =	shalt  }
0x63: {  	_ =	shalt  }
0x64: {  	_ =	shalt  }
0x65: {  	_ =	shalt  }
0x66: {  	_ =	shalt  }
0x67: {  	_ =	shalt  }
0x68: {  	_ =	shalt  }
0x69: {  	_ =	shalt  }
0x6a: {  	_ =	shalt  }
0x6b: {  	_ =	shalt  }
0x6c: {  	_ =	shalt  }
0x6d: {  	_ =	shalt  }
0x6e: {  	_ =	shalt  }
0x6f: {  	_ =	shalt  }
0x70: {  	_ =	shalt  }
0x71: {  	_ =	shalt  }
0x72: {  	_ =	shalt  }
0x73: {  	_ =	shalt  }
0x74: {  	_ =	shalt  }
0x75: {  	_ =	shalt  }
0x76: {  	_ =	shalt  }
0x77: {  	_ =	shalt  }
0x78: {  	_ =	shalt  }
0x79: {  	_ =	shalt  }
0x7a: {  	_ =	shalt  }
0x7b: {  	_ =	shalt  }
0x7c: {  	_ =	shalt  }
0x7d: {  	_ =	shalt  }
0x7e: {  	_ =	shalt  }
0x7f: {  	_ =	shalt  }
0x80: {  	_ =	shalt  }
0x81: {  	_ =	shalt  }
0x82: {  	_ =	shalt  }
0x83: {  	_ =	shalt  }
0x84: {  	_ =	shalt  }
0x85: {  	_ =	shalt  }
0x86: {  	_ =	shalt  }
0x87: {  	_ =	shalt  }
.Lfunc_end0:
.L_simem_size_0:
called_computation_lowered:
.L_overlay_start_0:
0x88: {  	s2 =	sld [smem:$0x3FD9]  }
0x89: {  	s3 =	sld [smem:$0x3FFE];
	_ =	sdelay $0x1  }
0x8a: {  	s1 =	srdreg.scid  }
0x8b: {  	s0 =	sand.u32 $0x1, s1  }
0x8c: {  	s16 =	sshll.u32 s0, $0xA;
	s2 =	sadd.s32 s3, s2  }
0x8d: {  	s2 =	sadd.s32 s2, s16  }
0x8e: {  	[smem:$0x3FBC] =	sst s2  }
0x8f: {  	_ = 	snop  }
0x90: {  	(tm) =	ssettm $0x1  }
0x91: {  	s17 =	sld [smem:$0x3FFB];
	_ =	sdelay $0x3  }
0x92: {  	_ =	strace s17  }
0x93: {  	s2 =	sld [smem:$0x3FFC];
	_ =	sdelay $0x3  }
0x94: {  	_ =	strace s2  }
0x95: {  	s2 =	sld [smem:$0x3FFD];
	_ =	sdelay $0x3  }
0x96: {  	_ =	strace s2  }
0x97: {  	_ =	strace $0x8FFFFFFF  }
0x98: {  	s18 =	sld [smem:$0x3FDB];
	_ =	sdelay $0x1  }
0x99: {  	s19 =	simm.s32 $_scs_section_size  }
0x9a: {  	s4 =	simm.s32 $_size__tile_overlayer_lowered;
	s5 =	simm.s32 $_tile_overlayer_lowered  }
0x9b: {  	s22 =	simm.s32 $0x1BFF;
	s21 =	sshll.u32 s5, $0x1;
	s2 =	sadd.s32 s19, s18  }
0x9c: {  	s6 =	simm.s32 $0x0;
	s20 =	sshll.u32 s4, $0x1;
	s4 =	sadd.s32 s21, s2  }
0x9d: {  	[timem:s6], [sflag:s22] =	dma.local [hbm:s4], s20  }
0x9e: {  	_ =	swait.ge [sflag:s22], s20  }
0x9f: {  	s3 =	ssub.s32 $0x0, s20;
	[sflag:s22] =	ssyncset.done $0x0  }
0xa0: {  	[sflag:s22] =	ssyncadd.s32 s3;
	_ =	sdelay $0x1  }
0xa1: {  	s23 =	simm.s32 $0x1B8B  }
0xa2: {  	_ =	swait.ge [sflag:s23], $0x1  }
0xa3: {  	[sflag:s23] =	ssyncset.done $0x0  }
0xa4: {  	s25 =	simm.s32 $0x1B8E;
	s24 =	sld [smem:$0x3FFE];
	[sflag:s23] =	ssyncadd.s32 $0xFFFFFFFF  }
0xa5: {  	s26 =	simm.s32 $execute0_lowered;
	[smem:$0x3FD2] =	sst s25  }
0xa6: {  	s4 =	sshll.u32 s26, $0x1;
	_ =	strace $0x80000046;
	[dreg:$0x1] =	wrdreg $0xFFFFFFFF  }
0xa7: {  	s28 =	simm.s32 $_size_execute0_lowered;
	s2 =	sadd.s32 s2, s4;
	[dreg:$0x0] =	wrdreg $0x0  }
0xa8: {  	s4 =	sshll.u32 s28, $0x1;
	[dreg:$0x2] =	wrdreg s2  }
0xa9: {  	[dreg:$0x3] =	wrdreg s4  }
0xaa: {  	[dreg:$0x4] =	wrdreg $0xC0  }
0xab: {  	_ =	task [dreg:s6], $0x5FFFF  }
0xac: {  	[dreg:$0x1] =	wrdreg $0xFFFFFFFF  }
0xad: {  	[dreg:$0x0] =	wrdreg $0x60  }
0xae: {  	[dreg:$0x2] =	wrdreg s24  }
0xaf: {  	[dreg:$0x3] =	wrdreg $0x9  }
0xb0: {  	_ =	task.clear_ibuf [dreg:s6], $0x4FFFF;
	_ =	strace $0x90000046  }
0xb1: {  	s29 =	simm.s32 $0x9;
	_ =	strace $0x80000048  }
0xb2: {  	_ =	swait.ge [sflag:s29], $0x1  }
0xb3: {  	[sflag:s29] =	ssyncadd.s32 $0xFFFFFFFF  }
0xb4: {  	_ =	strace $0x90000048  }
0xb5: {  	_ =	sfence  }
0xb6: {  	s30 =	sld [smem:$0x0];
	_ =	sdelay $0x2  }
0xb7: {  	s31 =	sshll.u32 s1, $0xD;
	s1 =	sshrl.u32 s1, $0x2  }
0xb8: {  	s3 =	sand.u32 $0x4000, s31;
	s1 =	sadd.s32 s1, s30  }
0xb9: {  	s0 =	sor.u32 s3, s0;
	s1 =	sshll.u32 s1, $0x11  }
0xba: {  	s0 =	sor.u32 s1, s0  }
0xbb: {  	s0 =	sadd.s32 $0x8F2B, s0  }
0xbc: {  	[sflag:s0] =	ssyncadd.remote.s32 $0x1  }
0xbd: {  	_ =	sfence.sel $0xFFFF  }
0xbe: {  	[dreg:$0x0] =	wrdreg $0xFFFFFFFF;
	(pc) =	sbr.abs _section_cstart, $3  }
0xbf: {  	[dreg:$0x1] =	wrdreg $0xFFFFFFFF  }
0xc0: {  	_ =	task.clear_ibuf [dreg:s6], $0x2FFFF;
	_ =	strace $0x9FFFFFFF  }
0xc1: {  	(tm) =	ssettm $0x7FFFFFFF  }
tec
execute0_lowered:
.L_overlay_start_1:
0x0: {  	(tag) =	ssettag $0x1  }
0x1: {  	s1 =	srdreg.scid  }
0x2: {  	s0 =	stileid.u32;
	s24 =	sand.u32 $0x1, s1  }
0x3: {  	s13 =	rddreg [dreg:$0x0];
	s3 =	sshll.u32 s0, $0x7;
	s4 =	sshll.u32 s24, $0x6  }
0x4: {  	s2 =	simm.s32 $0x0;
	s1 =	rddreg [dreg:$0x1];
	s3 =	sor.u32 s4, s3  }
0x5: {  	[smem:$0x7FF] =	sst s2;
	s5 =	sadd.s32 s3, s13  }
0x6: {  	_ =	strace $0x80000047;
	s3 =	simm.s32 $0x2;
	s4 =	sadd.s32 $0x2E00, s5  }
0x7: {  	[tilespmem:s2], [sflag:$0x2] =	stream.linear.gather [hbm4b:s4+s2], $0x200, $0x38;
	[tilespmem:$0x8400] =	vst v63  }
0x8: {  	_ =	swait.ge [sflag:s3], $0x200  }
0x9: {  	[sflag:s3] =	ssyncset.done $0x0  }
0xa: {  	s6 =	simm.s32 $0x200;
	s5 =	sadd.s32 $0x2600, s5;
	[sflag:s3] =	ssyncadd.s32 $0xFFFFFE00  }
0xb: {  	[tilespmem:s6], [sflag:$0x2] =	stream.linear.gather [hbm4b:s5+s2], $0x200, $0x38;
	[tilespmem:$0x8400] =	vst v63  }
0xc: {  	_ =	swait.ge [sflag:s3], $0x200  }
0xd: {  	s8 =	simm.s32 $0x80;
	[sflag:s3] =	ssyncset.done $0x0  }
0xe: {  	s9 =	simm.s32 $0x400;
	s7 =	sadd.s32 $0xF44200, s13;
	[sflag:s3] =	ssyncadd.s32 $0xFFFFFE00  }
0xf: {  	[tilespmem:s9], [sflag:$0x1] =	stream.indirect.gather [hbm4b:s7+s8], $0x80, s2, s8, $0xb8;
	[tilespmem:$0x8400] =	vst v63  }
0x10: {  	s11 =	simm.s32 $0x4400;
	s12 =	simm.s32 $0x1;
	s10 =	sadd.s32 $0x16E5400, s13  }
0x11: {  	[tilespmem:s11], [sflag:$0x1] =	stream.indirect.gather [hbm4b:s10+s8], $0x80, s6, s8, $0xb8;
	[tilespmem:$0x8400] =	vst v63  }
0x12: {  	_ =	swait.ge [sflag:s12], $0x4000  }
0x13: {  	[sflag:s12] =	ssyncset.done $0x0  }
0x14: {  	s14 =	sshll.u32 s0, $0xE;
	s15 =	sshll.u32 s24, $0xD;
	[sflag:s12] =	ssyncadd.s32 $0xFFFFC000  }
0x15: {  	s14 =	sor.u32 s15, s14;
	_ =	swait.ge [sflag:s12], $0x4000  }
0x16: {  	s25 =	sadd.s32 s14, s13;
	[sflag:s12] =	ssyncset.done $0x0  }
0x17: {  	s13 =	sadd.s32 $0x3600, s25;
	[sflag:s12] =	ssyncadd.s32 $0xFFFFC000  }
0x18: {  	[hbm4b:s13+s2] =	stream.linear.scatter [tilespmem:s9], [sflag:$0x2], $0x4000, $0x38;
	[tilespmem:$0x8400] =	vst v63  }
0x19: {  	_ =	swait.ge [sflag:s3], $0x4000  }
0x1a: {  	[sflag:s3] =	ssyncset.done $0x0  }
0x1b: {  	s14 =	sadd.s32 $0x43600, s25;
	[sflag:s3] =	ssyncadd.s32 $0xFFFFC000  }
0x1c: {  	[hbm4b:s14+s2] =	stream.linear.scatter [tilespmem:s11], [sflag:$0x2], $0x4000, $0x38;
	[tilespmem:$0x8400] =	vst v63  }
0x1d: {  	_ =	swait.ge [sflag:s3], $0x4000  }
0x1e: {  	[sflag:s3] =	ssyncset.done $0x0  }
0x1f: {  	[sflag:s3] =	ssyncadd.s32 $0xFFFFC000  }
0x20: {  	[tilespmem:s9], [sflag:$0x1] =	stream.indirect.gather [hbm4b:s7+s8], $0x80, s8, s8, $0xb8;
	[tilespmem:$0x8400] =	vst v63  }
0x21: {  	s15 =	simm.s32 $0x280  }
0x22: {  	[tilespmem:s11], [sflag:$0x1] =	stream.indirect.gather [hbm4b:s10+s8], $0x80, s15, s8, $0xb8;
	[tilespmem:$0x8400] =	vst v63  }
0x23: {  	_ =	swait.ge [sflag:s12], $0x4000  }
0x24: {  	[sflag:s12] =	ssyncset.done $0x0  }
0x25: {  	[sflag:s12] =	ssyncadd.s32 $0xFFFFC000  }
0x26: {  	_ =	swait.ge [sflag:s12], $0x4000  }
0x27: {  	[sflag:s12] =	ssyncset.done $0x0  }
0x28: {  	s16 =	sadd.s32 $0x3E00, s25;
	[sflag:s12] =	ssyncadd.s32 $0xFFFFC000  }
0x29: {  	[hbm4b:s16+s2] =	stream.linear.scatter [tilespmem:s9], [sflag:$0x2], $0x4000, $0x38;
	[tilespmem:$0x8400] =	vst v63  }
0x2a: {  	_ =	swait.ge [sflag:s3], $0x4000  }
0x2b: {  	[sflag:s3] =	ssyncset.done $0x0  }
0x2c: {  	s17 =	sadd.s32 $0x43E00, s25;
	[sflag:s3] =	ssyncadd.s32 $0xFFFFC000  }
0x2d: {  	[hbm4b:s17+s2] =	stream.linear.scatter [tilespmem:s11], [sflag:$0x2], $0x4000, $0x38;
	[tilespmem:$0x8400] =	vst v63  }
0x2e: {  	_ =	swait.ge [sflag:s3], $0x4000  }
0x2f: {  	[sflag:s3] =	ssyncset.done $0x0  }
0x30: {  	s18 =	simm.s32 $0x100;
	[sflag:s3] =	ssyncadd.s32 $0xFFFFC000  }
0x31: {  	[tilespmem:s9], [sflag:$0x1] =	stream.indirect.gather [hbm4b:s7+s8], $0x80, s18, s8, $0xb8;
	[tilespmem:$0x8400] =	vst v63  }
0x32: {  	s19 =	simm.s32 $0x300  }
0x33: {  	[tilespmem:s11], [sflag:$0x1] =	stream.indirect.gather [hbm4b:s10+s8], $0x80, s19, s8, $0xb8;
	[tilespmem:$0x8400] =	vst v63  }
0x34: {  	_ =	swait.ge [sflag:s12], $0x4000  }
0x35: {  	[sflag:s12] =	ssyncset.done $0x0  }
0x36: {  	[sflag:s12] =	ssyncadd.s32 $0xFFFFC000  }
0x37: {  	_ =	swait.ge [sflag:s12], $0x4000  }
0x38: {  	[sflag:s12] =	ssyncset.done $0x0  }
0x39: {  	s20 =	sadd.s32 $0x4600, s25;
	[sflag:s12] =	ssyncadd.s32 $0xFFFFC000  }
0x3a: {  	[hbm4b:s20+s2] =	stream.linear.scatter [tilespmem:s9], [sflag:$0x2], $0x4000, $0x38;
	[tilespmem:$0x8400] =	vst v63  }
0x3b: {  	_ =	swait.ge [sflag:s3], $0x4000  }
0x3c: {  	[sflag:s3] =	ssyncset.done $0x0  }
0x3d: {  	s21 =	sadd.s32 $0x44600, s25;
	[sflag:s3] =	ssyncadd.s32 $0xFFFFC000  }
0x3e: {  	[hbm4b:s21+s2] =	stream.linear.scatter [tilespmem:s11], [sflag:$0x2], $0x4000, $0x38;
	[tilespmem:$0x8400] =	vst v63  }
0x3f: {  	_ =	swait.ge [sflag:s3], $0x4000  }
0x40: {  	[sflag:s3] =	ssyncset.done $0x0  }
0x41: {  	s22 =	simm.s32 $0x180;
	[sflag:s3] =	ssyncadd.s32 $0xFFFFC000  }
0x42: {  	[tilespmem:s9], [sflag:$0x1] =	stream.indirect.gather [hbm4b:s7+s8], $0x80, s22, s8, $0xb8;
	[tilespmem:$0x8400] =	vst v63  }
0x43: {  	s23 =	simm.s32 $0x380  }
0x44: {  	[tilespmem:s11], [sflag:$0x1] =	stream.indirect.gather [hbm4b:s10+s8], $0x80, s23, s8, $0xb8;
	[tilespmem:$0x8400] =	vst v63  }
0x45: {  	_ =	swait.ge [sflag:s12], $0x4000  }
0x46: {  	[sflag:s12] =	ssyncset.done $0x0  }
0x47: {  	s26 =	ssub.s32 $0x2, s24;
	[sflag:s12] =	ssyncadd.s32 $0xFFFFC000  }
0x48: {  	s28 =	sshrl.u32 s26, $0x1;
	_ =	swait.ge [sflag:s12], $0x4000  }
0x49: {  	s26 =	ssub.s32 s26, s28;
	[sflag:s12] =	ssyncset.done $0x0  }
0x4a: {  	s24 =	sadd.s32 $0x4E00, s25;
	s26 =	smax.u32 s26, $0x1;
	[sflag:s12] =	ssyncadd.s32 $0xFFFFC000  }
0x4b: {  	[hbm4b:s24+s2] =	stream.linear.scatter [tilespmem:s9], [sflag:$0x2], $0x4000, $0x38;
	[tilespmem:$0x8400] =	vst v63  }
0x4c: {  	p0 =	sne.s32 s26, $0x1;
	_ =	swait.ge [sflag:s3], $0x4000  }
.Ltmp0:
0x4d: {  	[sflag:s3] =	ssyncset.done $0x0;
	(pc) =	sbr.rel @!p0 .LBB2_2-.Ltmp0, $4  }
0x4e: {  	s25 =	sadd.s32 $0x44E00, s25;
	[sflag:s3] =	ssyncadd.s32 $0xFFFFC000  }
0x4f: {  	[hbm4b:s25+s2] =	stream.linear.scatter [tilespmem:s11], [sflag:$0x2], $0x4000, $0x38;
	[tilespmem:$0x8400] =	vst v63  }
0x50: {  	_ =	swait.ge [sflag:s3], $0x4000  }
0x51: {  	s26 =	sadd.s32 $0xFFFFFFFF, s26;
	[sflag:s3] =	ssyncset.done $0x0  }
.LBB2_1:
0x52: {  	p0 =	sne.s32 s26, $0x1;
	s26 =	sadd.s32 $0xFFFFFFFF, s26;
	[sflag:s3] =	ssyncadd.s32 $0xFFFFC000  }
0x53: {  	[tilespmem:s2], [sflag:$0x2] =	stream.linear.gather [hbm4b:s4+s2], $0x200, $0x38;
	[tilespmem:$0x8400] =	vst v63  }
0x54: {  	_ =	swait.ge [sflag:s3], $0x200  }
0x55: {  	[sflag:s3] =	ssyncset.done $0x0  }
0x56: {  	[sflag:s3] =	ssyncadd.s32 $0xFFFFFE00  }
0x57: {  	[tilespmem:s6], [sflag:$0x2] =	stream.linear.gather [hbm4b:s5+s2], $0x200, $0x38;
	[tilespmem:$0x8400] =	vst v63  }
0x58: {  	_ =	swait.ge [sflag:s3], $0x200  }
0x59: {  	[sflag:s3] =	ssyncset.done $0x0  }
0x5a: {  	[sflag:s3] =	ssyncadd.s32 $0xFFFFFE00  }
0x5b: {  	[tilespmem:s9], [sflag:$0x1] =	stream.indirect.gather [hbm4b:s7+s8], $0x80, s2, s8, $0xb8;
	[tilespmem:$0x8400] =	vst v63  }
0x5c: {  	_ = 	snop  }
0x5d: {  	[tilespmem:s11], [sflag:$0x1] =	stream.indirect.gather [hbm4b:s10+s8], $0x80, s6, s8, $0xb8;
	[tilespmem:$0x8400] =	vst v63  }
0x5e: {  	_ =	swait.ge [sflag:s12], $0x4000  }
0x5f: {  	[sflag:s12] =	ssyncset.done $0x0  }
0x60: {  	[sflag:s12] =	ssyncadd.s32 $0xFFFFC000  }
0x61: {  	_ =	swait.ge [sflag:s12], $0x4000  }
0x62: {  	[sflag:s12] =	ssyncset.done $0x0  }
0x63: {  	[sflag:s12] =	ssyncadd.s32 $0xFFFFC000  }
0x64: {  	[hbm4b:s13+s2] =	stream.linear.scatter [tilespmem:s9], [sflag:$0x2], $0x4000, $0x38;
	[tilespmem:$0x8400] =	vst v63  }
0x65: {  	_ =	swait.ge [sflag:s3], $0x4000  }
0x66: {  	[sflag:s3] =	ssyncset.done $0x0  }
0x67: {  	[sflag:s3] =	ssyncadd.s32 $0xFFFFC000  }
0x68: {  	[hbm4b:s14+s2] =	stream.linear.scatter [tilespmem:s11], [sflag:$0x2], $0x4000, $0x38;
	[tilespmem:$0x8400] =	vst v63  }
0x69: {  	_ =	swait.ge [sflag:s3], $0x4000  }
0x6a: {  	[sflag:s3] =	ssyncset.done $0x0  }
0x6b: {  	[sflag:s3] =	ssyncadd.s32 $0xFFFFC000  }
0x6c: {  	[tilespmem:s9], [sflag:$0x1] =	stream.indirect.gather [hbm4b:s7+s8], $0x80, s8, s8, $0xb8;
	[tilespmem:$0x8400] =	vst v63  }
0x6d: {  	_ = 	snop  }
0x6e: {  	[tilespmem:s11], [sflag:$0x1] =	stream.indirect.gather [hbm4b:s10+s8], $0x80, s15, s8, $0xb8;
	[tilespmem:$0x8400] =	vst v63  }
0x6f: {  	_ =	swait.ge [sflag:s12], $0x4000  }
0x70: {  	[sflag:s12] =	ssyncset.done $0x0  }
0x71: {  	[sflag:s12] =	ssyncadd.s32 $0xFFFFC000  }
0x72: {  	_ =	swait.ge [sflag:s12], $0x4000  }
0x73: {  	[sflag:s12] =	ssyncset.done $0x0  }
0x74: {  	[sflag:s12] =	ssyncadd.s32 $0xFFFFC000  }
0x75: {  	[hbm4b:s16+s2] =	stream.linear.scatter [tilespmem:s9], [sflag:$0x2], $0x4000, $0x38;
	[tilespmem:$0x8400] =	vst v63  }
0x76: {  	_ =	swait.ge [sflag:s3], $0x4000  }
0x77: {  	[sflag:s3] =	ssyncset.done $0x0  }
0x78: {  	[sflag:s3] =	ssyncadd.s32 $0xFFFFC000  }
0x79: {  	[hbm4b:s17+s2] =	stream.linear.scatter [tilespmem:s11], [sflag:$0x2], $0x4000, $0x38;
	[tilespmem:$0x8400] =	vst v63  }
0x7a: {  	_ =	swait.ge [sflag:s3], $0x4000  }
0x7b: {  	[sflag:s3] =	ssyncset.done $0x0  }
0x7c: {  	[sflag:s3] =	ssyncadd.s32 $0xFFFFC000  }
0x7d: {  	[tilespmem:s9], [sflag:$0x1] =	stream.indirect.gather [hbm4b:s7+s8], $0x80, s18, s8, $0xb8;
	[tilespmem:$0x8400] =	vst v63  }
0x7e: {  	_ = 	snop  }
0x7f: {  	[tilespmem:s11], [sflag:$0x1] =	stream.indirect.gather [hbm4b:s10+s8], $0x80, s19, s8, $0xb8;
	[tilespmem:$0x8400] =	vst v63  }
0x80: {  	_ =	swait.ge [sflag:s12], $0x4000  }
0x81: {  	[sflag:s12] =	ssyncset.done $0x0  }
0x82: {  	[sflag:s12] =	ssyncadd.s32 $0xFFFFC000  }
0x83: {  	_ =	swait.ge [sflag:s12], $0x4000  }
0x84: {  	[sflag:s12] =	ssyncset.done $0x0  }
0x85: {  	[sflag:s12] =	ssyncadd.s32 $0xFFFFC000  }
0x86: {  	[hbm4b:s20+s2] =	stream.linear.scatter [tilespmem:s9], [sflag:$0x2], $0x4000, $0x38;
	[tilespmem:$0x8400] =	vst v63  }
0x87: {  	_ =	swait.ge [sflag:s3], $0x4000  }
0x88: {  	[sflag:s3] =	ssyncset.done $0x0  }
0x89: {  	[sflag:s3] =	ssyncadd.s32 $0xFFFFC000  }
0x8a: {  	[hbm4b:s21+s2] =	stream.linear.scatter [tilespmem:s11], [sflag:$0x2], $0x4000, $0x38;
	[tilespmem:$0x8400] =	vst v63  }
0x8b: {  	_ =	swait.ge [sflag:s3], $0x4000  }
0x8c: {  	[sflag:s3] =	ssyncset.done $0x0  }
0x8d: {  	[sflag:s3] =	ssyncadd.s32 $0xFFFFC000  }
0x8e: {  	[tilespmem:s9], [sflag:$0x1] =	stream.indirect.gather [hbm4b:s7+s8], $0x80, s22, s8, $0xb8;
	[tilespmem:$0x8400] =	vst v63  }
0x8f: {  	_ = 	snop  }
0x90: {  	[tilespmem:s11], [sflag:$0x1] =	stream.indirect.gather [hbm4b:s10+s8], $0x80, s23, s8, $0xb8;
	[tilespmem:$0x8400] =	vst v63  }
0x91: {  	_ =	swait.ge [sflag:s12], $0x4000  }
0x92: {  	[sflag:s12] =	ssyncset.done $0x0  }
0x93: {  	[sflag:s12] =	ssyncadd.s32 $0xFFFFC000  }
0x94: {  	_ =	swait.ge [sflag:s12], $0x4000  }
0x95: {  	[sflag:s12] =	ssyncset.done $0x0  }
0x96: {  	[sflag:s12] =	ssyncadd.s32 $0xFFFFC000  }
0x97: {  	[hbm4b:s24+s2] =	stream.linear.scatter [tilespmem:s9], [sflag:$0x2], $0x4000, $0x38;
	[tilespmem:$0x8400] =	vst v63  }
0x98: {  	_ =	swait.ge [sflag:s3], $0x4000  }
.Ltmp1:
0x99: {  	[sflag:s3] =	ssyncset.done $0x0;
	(pc) =	sbr.rel @p0 .LBB2_1-.Ltmp1, $4  }
0x9a: {  	[sflag:s3] =	ssyncadd.s32 $0xFFFFC000  }
0x9b: {  	[hbm4b:s25+s2] =	stream.linear.scatter [tilespmem:s11], [sflag:$0x2], $0x4000, $0x38;
	[tilespmem:$0x8400] =	vst v63  }
0x9c: {  	_ =	swait.ge [sflag:s3], $0x4000  }
0x9d: {  	[sflag:s3] =	ssyncset.done $0x0  }
.LBB2_2:
0x9e: {  	[sflag:s3] =	ssyncadd.s32 $0xFFFFC000  }
0x9f: {  	_ =	sfence.sel $0x180000  }
0xa0: {  	[bflag:$0x0] =	sbarrier.arrive $0xFFFF  }
0xa1: {  	p0 =	sne.s32 s0, $0x0;
	_ =	strace $0x90000047  }
0xa2: {  	s0 =	sadd.s32 @!p0 $0x100000, s1;
	[bflag:$0x2] =	sbarrier.arrive $0xFFFF  }
0xa3: {  	[sflag:s0] =	ssyncadd.tile.s32 @!p0 $0x1;
	_ =	shalt  }
.Lfunc_end2:
_tile_overlayer_lowered:
.L_overlay_start_2:
0xa4: {  	(tag) =	ssettag $0x2  }
0xa5: {  	s0 =	rddreg [dreg:$0x0];
	s2 =	stileid.u32  }
0xa6: {  	s1 =	rddreg [dreg:$0x1];
	p0 =	sne.s32 s2, $0x0  }
0xa7: {  	s3 =	rddreg [dreg:$0x2];
	[bflag:$0x3] =	sbarrier.arrive $0xFFFF;
	s2 =	simm.s32 @!p0 $0x1C02  }
0xa8: {  	[timem:s3], [sflag:s2] =	dma.local @!p0 [hbm:s0], s1  }
0xa9: {  	s0 =	simm.s32 @!p0 $0x2  }
0xaa: {  	_ =	swait.ge @!p0 [sflag:s0], s1  }
0xab: {  	s1 =	ssub.s32 @!p0 $0x0, s1;
	[sflag:s0] =	ssyncset.done @!p0 $0x0  }
0xac: {  	[sflag:s0] =	ssyncadd.s32 @!p0 s1  }
0xad: {  	[bflag:$0x3] =	sbarrier.arrive $0xFFFF  }
0xae: {  	_ =	shalt  }

</sc_bundles>
